<compile_context>
chip_gen: v7x
topology: tpu7x:2x2x1
jax: 0.10.2.dev20260603
libtpu: 0.0.44.dev20260713+nightly
codegen_flags: <defaults>
</compile_context>

<pallas_src>
import jax
import jax.numpy as jnp
from jax import lax
from jax.experimental import pallas as pl
from jax.experimental.pallas import tpu as pltpu
from jax.experimental.pallas import tpu_sc as plsc

N = 100000
D = 128
G = 512
BLK = 4000
NB = N // BLK
NC, NS = 2, 16
NW = NC * NS
G_PAD = 528
N_PAD = 102400
RPW = N_PAD // NW
NPC = RPW // 128


def _gate_body(x_ref, b_ref, wl_ref, bl_ref, wg_ref, bg_ref,
               sums_ref, acc_ref):
    i = pl.program_id(0)

    @pl.when(i == 0)
    def _init():
        acc_ref[...] = jnp.zeros_like(acc_ref)

    x = x_ref[...]
    s = lax.dot_general(x, wl_ref[...], (((1,), (1,)), ((), ())),
                        preferred_element_type=jnp.float32) + bl_ref[...]
    g = lax.dot_general(x, wg_ref[...], (((1,), (1,)), ((), ())),
                        preferred_element_type=jnp.float32) + bg_ref[...]
    g = jnp.exp(g)
    g = g / jnp.sum(g, axis=1, keepdims=True)
    h = (s * g).astype(jnp.bfloat16)

    ids = b_ref[...].reshape(1, BLK)
    onehot = (lax.broadcasted_iota(jnp.int32, (G, BLK), 0) == ids
              ).astype(jnp.bfloat16)
    acc_ref[...] += lax.dot_general(onehot, h, (((1,), (0,)), ((), ())),
                                    preferred_element_type=jnp.float32)

    @pl.when(i == pl.num_programs(0) - 1)
    def _fin():
        sums_ref[...] = acc_ref[...]


def _count_body(idx_hbm, z_hbm, ones_hbm, out_hbm,
                idx_a, idx_b, ones_v, sem_a, sem_b, cnt_sh):
    c = lax.axis_index("c")
    s = lax.axis_index("s")

    pltpu.sync_copy(ones_hbm, ones_v)

    @pl.when(s == 0)
    def _zero():
        pltpu.sync_copy(z_hbm, cnt_sh)
    plsc.subcore_barrier()

    base = (s * NC + c) * RPW
    bufs = ((idx_a, sem_a), (idx_b, sem_b))

    def start_gather(k, ibuf, sem):
        hp = pltpu.make_async_copy(
            idx_hbm.at[pl.ds(base + k * 128, 128)], ibuf, sem)
        hp.start()
        return hp

    pending = start_gather(0, *bufs[0])
    for k in range(NPC):
        ibuf, sem = bufs[k % 2]
        pending.wait()
        if k + 1 < NPC:
            pending = start_gather(k + 1, *bufs[(k + 1) % 2])
        pltpu.sync_copy(ones_v, cnt_sh.at[ibuf], add=True)
    plsc.subcore_barrier()

    @pl.when(s == 0)
    def _out():
        pltpu.sync_copy(cnt_sh, out_hbm.at[c])


def _finish_body(sums_ref, q_ref, wf_ref, bf_ref, out_ref):
    cnt = q_ref[0, :G, 0:1] + q_ref[1, :G, 0:1]
    mean = sums_ref[...] / jnp.maximum(cnt, 1.0)
    out_ref[...] = lax.dot_general(
        mean, wf_ref[...], (((1,), (1,)), ((), ())),
        preferred_element_type=jnp.float32) + bf_ref[...]


@jax.jit
def kernel(x, batch, W_lin, b_lin, W_gate, b_gate, W_final, b_final):
    batch3 = batch.reshape(NB, 1, BLK)
    ids_pad = jnp.concatenate(
        [batch, jnp.full((N_PAD - N,), G, jnp.int32)])
    zeros = jnp.zeros((G_PAD, D), jnp.float32)
    ones = jnp.ones((128, D), jnp.float32)

    wspec = pl.BlockSpec((D, D), lambda i: (0, 0))
    bspec = pl.BlockSpec((1, D), lambda i: (0, 0))
    sums = pl.pallas_call(
        _gate_body,
        grid=(NB,),
        in_specs=[
            pl.BlockSpec((BLK, D), lambda i: (i, 0)),
            pl.BlockSpec((1, 1, BLK), lambda i: (i, 0, 0)),
            wspec, bspec, wspec, bspec,
        ],
        out_specs=pl.BlockSpec((G, D), lambda i: (0, 0)),
        out_shape=jax.ShapeDtypeStruct((G, D), jnp.float32),
        scratch_shapes=[pltpu.VMEM((G, D), jnp.float32)],
        compiler_params=pltpu.CompilerParams(
            dimension_semantics=("arbitrary",)),
    )(x, batch3, W_lin, b_lin.reshape(1, D), W_gate, b_gate.reshape(1, D))

    counts = pl.kernel(
        _count_body,
        out_type=jax.ShapeDtypeStruct((NC, G_PAD, D), jnp.float32),
        mesh=plsc.VectorSubcoreMesh(core_axis_name="c", subcore_axis_name="s"),
        scratch_types=[
            pltpu.VMEM((128,), jnp.int32),
            pltpu.VMEM((128,), jnp.int32),
            pltpu.VMEM((128, D), jnp.float32),
            pltpu.SemaphoreType.DMA,
            pltpu.SemaphoreType.DMA,
            pltpu.VMEM_SHARED((G_PAD, D), jnp.float32),
        ],
    )(ids_pad, zeros, ones)

    out = pl.pallas_call(
        _finish_body,
        in_specs=[
            pl.BlockSpec((G, D), lambda: (0, 0)),
            pl.BlockSpec((NC, G_PAD, D), lambda: (0, 0, 0)),
            pl.BlockSpec((D, D), lambda: (0, 0)),
            pl.BlockSpec((1, D), lambda: (0, 0)),
        ],
        out_specs=pl.BlockSpec((G, D), lambda: (0, 0)),
        out_shape=jax.ShapeDtypeStruct((G, D), jnp.float32),
    )(sums, counts, W_final, b_final.reshape(1, D))
    return out

# --- scband reference (transcript-rebuilt; emitter-appended) ---
"""Pipeline reference for scband-graph-aggregator-21526376088205 (READ-ONLY COPY).

The authoritative reference and input builder live on the scoring server;
editing this copy changes nothing except your own understanding.
"""

import jax, jax.numpy as jnp
import numpy as np

N = 100000
D = 128
G = 512


def setup_inputs(seed: int = 0) -> dict:
    key = jax.random.key(seed)
    ks = jax.random.split(key, 6)
    x = jax.random.normal(ks[0], (N, D), dtype=jnp.float32)
    batch = jnp.sort(jax.random.randint(ks[1], (N,), 0, G, dtype=jnp.int32))
    limit = float(np.sqrt(6.0 / (D + D)))
    W_lin = jax.random.uniform(ks[2], (D, D), minval=-limit, maxval=limit, dtype=jnp.float32)
    b_lin = jnp.full((D,), 0.01, dtype=jnp.float32)
    W_gate = jax.random.uniform(ks[3], (D, D), minval=-limit, maxval=limit, dtype=jnp.float32)
    b_gate = jnp.full((D,), 0.01, dtype=jnp.float32)
    W_final = jax.random.uniform(ks[4], (D, D), minval=-limit, maxval=limit, dtype=jnp.float32)
    b_final = jnp.full((D,), 0.01, dtype=jnp.float32)
    return {"x": x, "batch": batch, "W_lin": W_lin, "b_lin": b_lin,
            "W_gate": W_gate, "b_gate": b_gate, "W_final": W_final, "b_final": b_final}


def reference(x, batch, W_lin, b_lin, W_gate, b_gate, W_final, b_final):
    x_states = x @ W_lin.T + b_lin
    x_gates = jax.nn.softmax(x @ W_gate.T + b_gate, axis=1)
    x_states = x_states * x_gates
    sums = jax.ops.segment_sum(x_states, batch, num_segments=G)
    counts = jax.ops.segment_sum(jnp.ones((x.shape[0],), dtype=x.dtype), batch, num_segments=G)
    mean = sums / jnp.maximum(counts, 1.0)[:, None]
    out = mean @ W_final.T + b_final
    return out

if __name__ == "__main__":
    import jax
    _d = setup_inputs()
    print(jax.jit(kernel)(*tuple(_d.values())))

</pallas_src>

<mosaic_0001>
#map = affine_map<(d0, d1) -> (0)>
#map1 = affine_map<(d0, d1) -> (0, 0)>
#map2 = affine_map<(d0, d1) -> (0, 0, 0)>
module attributes {stable_mosaic.version = 14 : i64} {
  func.func @_count_body(%arg0: i32, %arg1: i32, %arg2: memref<102400xi32, #tpu.memory_space<hbm>>, %arg3: memref<528x128xf32, #tpu.memory_space<hbm>>, %arg4: memref<128x128xf32, #tpu.memory_space<hbm>>, %arg5: memref<2x528x128xf32, #tpu.memory_space<hbm>>, %arg6: memref<128xi32, #tpu.memory_space<vmem>>, %arg7: memref<128xi32, #tpu.memory_space<vmem>>, %arg8: memref<128x128xf32, #tpu.memory_space<vmem>>, %arg9: memref<!tpu.dma_semaphore, #tpu.memory_space<semaphore_mem>>, %arg10: memref<!tpu.dma_semaphore, #tpu.memory_space<semaphore_mem>>, %arg11: memref<528x128xf32, #tpu.memory_space<vmem_shared>>) attributes {dimension_semantics = [#tpu.dimension_semantics<core_parallel>, #tpu.dimension_semantics<subcore_parallel>], iteration_bounds = array<i64: 2, 16>, scalar_prefetch = 0 : i64, scratch_operands = 6 : i64, tpu.core_type = #tpu.core_type<sc_vector_subcore>, window_params = [{transform_indices = #map}, {transform_indices = #map1}, {transform_indices = #map1}, {transform_indices = #map2}]} {
    "tpu.region"() ({
      %run_scoped3A = tpu.sem_alloc : memref<!tpu.dma_semaphore, #tpu.memory_space<semaphore_mem>>
      tpu.enqueue_dma source(%arg4 : memref<128x128xf32, #tpu.memory_space<hbm>>) target(%arg8 : memref<128x128xf32, #tpu.memory_space<vmem>>) target_semaphore(%run_scoped3A : memref<!tpu.dma_semaphore, #tpu.memory_space<semaphore_mem>>)
      tpu.wait_dma2 semaphore(%run_scoped3A : memref<!tpu.dma_semaphore, #tpu.memory_space<semaphore_mem>>) src(%arg4 : memref<128x128xf32, #tpu.memory_space<hbm>>) dst(%arg8 : memref<128x128xf32, #tpu.memory_space<vmem>>)
      tpu.yield
    }) : () -> ()
    %eq3A = arith.constant 0 : i32
    %eq3A_0 = arith.cmpi eq, %arg1, %eq3A : i32
    %convert_element_type3A = arith.extui %eq3A_0 : i1 to i32
    %cond3A = arith.constant 0 : i32
    %cond3A_1 = arith.cmpi ne, %convert_element_type3A, %cond3A : i32
    scf.if %cond3A_1 {
      "tpu.region"() ({
        %run_scoped3A = tpu.sem_alloc : memref<!tpu.dma_semaphore, #tpu.memory_space<semaphore_mem>>
        tpu.enqueue_dma source(%arg3 : memref<528x128xf32, #tpu.memory_space<hbm>>) target(%arg11 : memref<528x128xf32, #tpu.memory_space<vmem_shared>>) target_semaphore(%run_scoped3A : memref<!tpu.dma_semaphore, #tpu.memory_space<semaphore_mem>>)
        tpu.wait_dma2 semaphore(%run_scoped3A : memref<!tpu.dma_semaphore, #tpu.memory_space<semaphore_mem>>) src(%arg3 : memref<528x128xf32, #tpu.memory_space<hbm>>) dst(%arg11 : memref<528x128xf32, #tpu.memory_space<vmem_shared>>)
        tpu.yield
      }) : () -> ()
    } else {
    }
    %barrier3A = arith.constant 0 : index
    tpu.barrier barrier_id(%barrier3A)
    %mul3A = arith.constant 2 : i32
    %mul3A_2 = arith.muli %arg1, %mul3A : i32
    %add3A = arith.addi %mul3A_2, %arg0 : i32
    %mul3A_3 = arith.constant 3200 : i32
    %mul3A_4 = arith.muli %add3A, %mul3A_3 : i32
    %add3A_5 = arith.constant 0 : i32
    %add3A_6 = arith.addi %mul3A_4, %add3A_5 : i32
    %dma_start3A = tpu.memref_slice %arg2[%add3A_6] : memref<102400xi32, #tpu.memory_space<hbm>> -> memref<128xi32, #tpu.memory_space<hbm>>
    %dma_start3A_7 = tpu.memref_slice %arg2[%add3A_6] : memref<102400xi32, #tpu.memory_space<hbm>> -> memref<128xi32, #tpu.memory_space<hbm>>
    tpu.enqueue_dma source(%dma_start3A_7 : memref<128xi32, #tpu.memory_space<hbm>>) target(%arg6 : memref<128xi32, #tpu.memory_space<vmem>>) target_semaphore(%arg9 : memref<!tpu.dma_semaphore, #tpu.memory_space<semaphore_mem>>)
    %dma_wait3A = tpu.memref_slice %arg2[%add3A_6] : memref<102400xi32, #tpu.memory_space<hbm>> -> memref<128xi32, #tpu.memory_space<hbm>>
    %dma_wait3A_8 = tpu.memref_slice %arg2[%add3A_6] : memref<102400xi32, #tpu.memory_space<hbm>> -> memref<128xi32, #tpu.memory_space<hbm>>
    tpu.wait_dma2 semaphore(%arg9 : memref<!tpu.dma_semaphore, #tpu.memory_space<semaphore_mem>>) src(%dma_wait3A_8 : memref<128xi32, #tpu.memory_space<hbm>>) dst(%arg6 : memref<128xi32, #tpu.memory_space<vmem>>)
    %add3A_9 = arith.constant 128 : i32
    %add3A_10 = arith.addi %mul3A_4, %add3A_9 : i32
    %dma_start3A_11 = tpu.memref_slice %arg2[%add3A_10] : memref<102400xi32, #tpu.memory_space<hbm>> -> memref<128xi32, #tpu.memory_space<hbm>>
    %dma_start3A_12 = tpu.memref_slice %arg2[%add3A_10] : memref<102400xi32, #tpu.memory_space<hbm>> -> memref<128xi32, #tpu.memory_space<hbm>>
    tpu.enqueue_dma source(%dma_start3A_12 : memref<128xi32, #tpu.memory_space<hbm>>) target(%arg7 : memref<128xi32, #tpu.memory_space<vmem>>) target_semaphore(%arg10 : memref<!tpu.dma_semaphore, #tpu.memory_space<semaphore_mem>>)
    "tpu.region"() ({
      %run_scoped3A = tpu.sem_alloc : memref<!tpu.dma_semaphore, #tpu.memory_space<semaphore_mem>>
      %dma_start3A_159 = arith.constant 0 : i32
      %dma_start3A_160 = arith.constant 0 : i32
      %dma_start3A_161 = tpu.memref_slice %arg11[%dma_start3A_159, %dma_start3A_160] : memref<528x128xf32, #tpu.memory_space<vmem_shared>> -> memref<528x128xf32, #tpu.memory_space<vmem_shared>>
      tpu.enqueue_indirect_dma source(%arg8 : memref<128x128xf32, #tpu.memory_space<vmem>>) target(%dma_start3A_161 : memref<528x128xf32, #tpu.memory_space<vmem_shared>>) offsets(%arg6 : memref<128xi32, #tpu.memory_space<vmem>>) semaphore(%run_scoped3A : memref<!tpu.dma_semaphore, #tpu.memory_space<semaphore_mem>>) {add = true}
      %dma_wait3A_162 = arith.constant 0 : i32
      %dma_wait3A_163 = arith.constant 0 : i32
      %dma_wait3A_164 = tpu.memref_slice %arg11[%dma_wait3A_162, %dma_wait3A_163] : memref<528x128xf32, #tpu.memory_space<vmem_shared>> -> memref<528x128xf32, #tpu.memory_space<vmem_shared>>
      tpu.wait_indirect_dma semaphore(%run_scoped3A : memref<!tpu.dma_semaphore, #tpu.memory_space<semaphore_mem>>) src(%arg8 : memref<128x128xf32, #tpu.memory_space<vmem>>) dst(%dma_wait3A_164 : memref<528x128xf32, #tpu.memory_space<vmem_shared>>)
      tpu.yield
    }) : () -> ()
    %dma_wait3A_13 = tpu.memref_slice %arg2[%add3A_10] : memref<102400xi32, #tpu.memory_space<hbm>> -> memref<128xi32, #tpu.memory_space<hbm>>
    %dma_wait3A_14 = tpu.memref_slice %arg2[%add3A_10] : memref<102400xi32, #tpu.memory_space<hbm>> -> memref<128xi32, #tpu.memory_space<hbm>>
    tpu.wait_dma2 semaphore(%arg10 : memref<!tpu.dma_semaphore, #tpu.memory_space<semaphore_mem>>) src(%dma_wait3A_14 : memref<128xi32, #tpu.memory_space<hbm>>) dst(%arg7 : memref<128xi32, #tpu.memory_space<vmem>>)
    %add3A_15 = arith.constant 256 : i32
    %add3A_16 = arith.addi %mul3A_4, %add3A_15 : i32
    %dma_start3A_17 = tpu.memref_slice %arg2[%add3A_16] : memref<102400xi32, #tpu.memory_space<hbm>> -> memref<128xi32, #tpu.memory_space<hbm>>
    %dma_start3A_18 = tpu.memref_slice %arg2[%add3A_16] : memref<102400xi32, #tpu.memory_space<hbm>> -> memref<128xi32, #tpu.memory_space<hbm>>
    tpu.enqueue_dma source(%dma_start3A_18 : memref<128xi32, #tpu.memory_space<hbm>>) target(%arg6 : memref<128xi32, #tpu.memory_space<vmem>>) target_semaphore(%arg9 : memref<!tpu.dma_semaphore, #tpu.memory_space<semaphore_mem>>)
    "tpu.region"() ({
      %run_scoped3A = tpu.sem_alloc : memref<!tpu.dma_semaphore, #tpu.memory_space<semaphore_mem>>
      %dma_start3A_159 = arith.constant 0 : i32
      %dma_start3A_160 = arith.constant 0 : i32
      %dma_start3A_161 = tpu.memref_slice %arg11[%dma_start3A_159, %dma_start3A_160] : memref<528x128xf32, #tpu.memory_space<vmem_shared>> -> memref<528x128xf32, #tpu.memory_space<vmem_shared>>
      tpu.enqueue_indirect_dma source(%arg8 : memref<128x128xf32, #tpu.memory_space<vmem>>) target(%dma_start3A_161 : memref<528x128xf32, #tpu.memory_space<vmem_shared>>) offsets(%arg7 : memref<128xi32, #tpu.memory_space<vmem>>) semaphore(%run_scoped3A : memref<!tpu.dma_semaphore, #tpu.memory_space<semaphore_mem>>) {add = true}
      %dma_wait3A_162 = arith.constant 0 : i32
      %dma_wait3A_163 = arith.constant 0 : i32
      %dma_wait3A_164 = tpu.memref_slice %arg11[%dma_wait3A_162, %dma_wait3A_163] : memref<528x128xf32, #tpu.memory_space<vmem_shared>> -> memref<528x128xf32, #tpu.memory_space<vmem_shared>>
      tpu.wait_indirect_dma semaphore(%run_scoped3A : memref<!tpu.dma_semaphore, #tpu.memory_space<semaphore_mem>>) src(%arg8 : memref<128x128xf32, #tpu.memory_space<vmem>>) dst(%dma_wait3A_164 : memref<528x128xf32, #tpu.memory_space<vmem_shared>>)
      tpu.yield
    }) : () -> ()
    %dma_wait3A_19 = tpu.memref_slice %arg2[%add3A_16] : memref<102400xi32, #tpu.memory_space<hbm>> -> memref<128xi32, #tpu.memory_space<hbm>>
    %dma_wait3A_20 = tpu.memref_slice %arg2[%add3A_16] : memref<102400xi32, #tpu.memory_space<hbm>> -> memref<128xi32, #tpu.memory_space<hbm>>
    tpu.wait_dma2 semaphore(%arg9 : memref<!tpu.dma_semaphore, #tpu.memory_space<semaphore_mem>>) src(%dma_wait3A_20 : memref<128xi32, #tpu.memory_space<hbm>>) dst(%arg6 : memref<128xi32, #tpu.memory_space<vmem>>)
    %add3A_21 = arith.constant 384 : i32
    %add3A_22 = arith.addi %mul3A_4, %add3A_21 : i32
    %dma_start3A_23 = tpu.memref_slice %arg2[%add3A_22] : memref<102400xi32, #tpu.memory_space<hbm>> -> memref<128xi32, #tpu.memory_space<hbm>>
    %dma_start3A_24 = tpu.memref_slice %arg2[%add3A_22] : memref<102400xi32, #tpu.memory_space<hbm>> -> memref<128xi32, #tpu.memory_space<hbm>>
    tpu.enqueue_dma source(%dma_start3A_24 : memref<128xi32, #tpu.memory_space<hbm>>) target(%arg7 : memref<128xi32, #tpu.memory_space<vmem>>) target_semaphore(%arg10 : memref<!tpu.dma_semaphore, #tpu.memory_space<semaphore_mem>>)
    "tpu.region"() ({
      %run_scoped3A = tpu.sem_alloc : memref<!tpu.dma_semaphore, #tpu.memory_space<semaphore_mem>>
      %dma_start3A_159 = arith.constant 0 : i32
      %dma_start3A_160 = arith.constant 0 : i32
      %dma_start3A_161 = tpu.memref_slice %arg11[%dma_start3A_159, %dma_start3A_160] : memref<528x128xf32, #tpu.memory_space<vmem_shared>> -> memref<528x128xf32, #tpu.memory_space<vmem_shared>>
      tpu.enqueue_indirect_dma source(%arg8 : memref<128x128xf32, #tpu.memory_space<vmem>>) target(%dma_start3A_161 : memref<528x128xf32, #tpu.memory_space<vmem_shared>>) offsets(%arg6 : memref<128xi32, #tpu.memory_space<vmem>>) semaphore(%run_scoped3A : memref<!tpu.dma_semaphore, #tpu.memory_space<semaphore_mem>>) {add = true}
      %dma_wait3A_162 = arith.constant 0 : i32
      %dma_wait3A_163 = arith.constant 0 : i32
      %dma_wait3A_164 = tpu.memref_slice %arg11[%dma_wait3A_162, %dma_wait3A_163] : memref<528x128xf32, #tpu.memory_space<vmem_shared>> -> memref<528x128xf32, #tpu.memory_space<vmem_shared>>
      tpu.wait_indirect_dma semaphore(%run_scoped3A : memref<!tpu.dma_semaphore, #tpu.memory_space<semaphore_mem>>) src(%arg8 : memref<128x128xf32, #tpu.memory_space<vmem>>) dst(%dma_wait3A_164 : memref<528x128xf32, #tpu.memory_space<vmem_shared>>)
      tpu.yield
    }) : () -> ()
    %dma_wait3A_25 = tpu.memref_slice %arg2[%add3A_22] : memref<102400xi32, #tpu.memory_space<hbm>> -> memref<128xi32, #tpu.memory_space<hbm>>
    %dma_wait3A_26 = tpu.memref_slice %arg2[%add3A_22] : memref<102400xi32, #tpu.memory_space<hbm>> -> memref<128xi32, #tpu.memory_space<hbm>>
    tpu.wait_dma2 semaphore(%arg10 : memref<!tpu.dma_semaphore, #tpu.memory_space<semaphore_mem>>) src(%dma_wait3A_26 : memref<128xi32, #tpu.memory_space<hbm>>) dst(%arg7 : memref<128xi32, #tpu.memory_space<vmem>>)
    %add3A_27 = arith.constant 512 : i32
    %add3A_28 = arith.addi %mul3A_4, %add3A_27 : i32
    %dma_start3A_29 = tpu.memref_slice %arg2[%add3A_28] : memref<102400xi32, #tpu.memory_space<hbm>> -> memref<128xi32, #tpu.memory_space<hbm>>
    %dma_start3A_30 = tpu.memref_slice %arg2[%add3A_28] : memref<102400xi32, #tpu.memory_space<hbm>> -> memref<128xi32, #tpu.memory_space<hbm>>
    tpu.enqueue_dma source(%dma_start3A_30 : memref<128xi32, #tpu.memory_space<hbm>>) target(%arg6 : memref<128xi32, #tpu.memory_space<vmem>>) target_semaphore(%arg9 : memref<!tpu.dma_semaphore, #tpu.memory_space<semaphore_mem>>)
    "tpu.region"() ({
      %run_scoped3A = tpu.sem_alloc : memref<!tpu.dma_semaphore, #tpu.memory_space<semaphore_mem>>
      %dma_start3A_159 = arith.constant 0 : i32
      %dma_start3A_160 = arith.constant 0 : i32
      %dma_start3A_161 = tpu.memref_slice %arg11[%dma_start3A_159, %dma_start3A_160] : memref<528x128xf32, #tpu.memory_space<vmem_shared>> -> memref<528x128xf32, #tpu.memory_space<vmem_shared>>
      tpu.enqueue_indirect_dma source(%arg8 : memref<128x128xf32, #tpu.memory_space<vmem>>) target(%dma_start3A_161 : memref<528x128xf32, #tpu.memory_space<vmem_shared>>) offsets(%arg7 : memref<128xi32, #tpu.memory_space<vmem>>) semaphore(%run_scoped3A : memref<!tpu.dma_semaphore, #tpu.memory_space<semaphore_mem>>) {add = true}
      %dma_wait3A_162 = arith.constant 0 : i32
      %dma_wait3A_163 = arith.constant 0 : i32
      %dma_wait3A_164 = tpu.memref_slice %arg11[%dma_wait3A_162, %dma_wait3A_163] : memref<528x128xf32, #tpu.memory_space<vmem_shared>> -> memref<528x128xf32, #tpu.memory_space<vmem_shared>>
      tpu.wait_indirect_dma semaphore(%run_scoped3A : memref<!tpu.dma_semaphore, #tpu.memory_space<semaphore_mem>>) src(%arg8 : memref<128x128xf32, #tpu.memory_space<vmem>>) dst(%dma_wait3A_164 : memref<528x128xf32, #tpu.memory_space<vmem_shared>>)
      tpu.yield
    }) : () -> ()
    %dma_wait3A_31 = tpu.memref_slice %arg2[%add3A_28] : memref<102400xi32, #tpu.memory_space<hbm>> -> memref<128xi32, #tpu.memory_space<hbm>>
    %dma_wait3A_32 = tpu.memref_slice %arg2[%add3A_28] : memref<102400xi32, #tpu.memory_space<hbm>> -> memref<128xi32, #tpu.memory_space<hbm>>
    tpu.wait_dma2 semaphore(%arg9 : memref<!tpu.dma_semaphore, #tpu.memory_space<semaphore_mem>>) src(%dma_wait3A_32 : memref<128xi32, #tpu.memory_space<hbm>>) dst(%arg6 : memref<128xi32, #tpu.memory_space<vmem>>)
    %add3A_33 = arith.constant 640 : i32
    %add3A_34 = arith.addi %mul3A_4, %add3A_33 : i32
    %dma_start3A_35 = tpu.memref_slice %arg2[%add3A_34] : memref<102400xi32, #tpu.memory_space<hbm>> -> memref<128xi32, #tpu.memory_space<hbm>>
    %dma_start3A_36 = tpu.memref_slice %arg2[%add3A_34] : memref<102400xi32, #tpu.memory_space<hbm>> -> memref<128xi32, #tpu.memory_space<hbm>>
    tpu.enqueue_dma source(%dma_start3A_36 : memref<128xi32, #tpu.memory_space<hbm>>) target(%arg7 : memref<128xi32, #tpu.memory_space<vmem>>) target_semaphore(%arg10 : memref<!tpu.dma_semaphore, #tpu.memory_space<semaphore_mem>>)
    "tpu.region"() ({
      %run_scoped3A = tpu.sem_alloc : memref<!tpu.dma_semaphore, #tpu.memory_space<semaphore_mem>>
      %dma_start3A_159 = arith.constant 0 : i32
      %dma_start3A_160 = arith.constant 0 : i32
      %dma_start3A_161 = tpu.memref_slice %arg11[%dma_start3A_159, %dma_start3A_160] : memref<528x128xf32, #tpu.memory_space<vmem_shared>> -> memref<528x128xf32, #tpu.memory_space<vmem_shared>>
      tpu.enqueue_indirect_dma source(%arg8 : memref<128x128xf32, #tpu.memory_space<vmem>>) target(%dma_start3A_161 : memref<528x128xf32, #tpu.memory_space<vmem_shared>>) offsets(%arg6 : memref<128xi32, #tpu.memory_space<vmem>>) semaphore(%run_scoped3A : memref<!tpu.dma_semaphore, #tpu.memory_space<semaphore_mem>>) {add = true}
      %dma_wait3A_162 = arith.constant 0 : i32
      %dma_wait3A_163 = arith.constant 0 : i32
      %dma_wait3A_164 = tpu.memref_slice %arg11[%dma_wait3A_162, %dma_wait3A_163] : memref<528x128xf32, #tpu.memory_space<vmem_shared>> -> memref<528x128xf32, #tpu.memory_space<vmem_shared>>
      tpu.wait_indirect_dma semaphore(%run_scoped3A : memref<!tpu.dma_semaphore, #tpu.memory_space<semaphore_mem>>) src(%arg8 : memref<128x128xf32, #tpu.memory_space<vmem>>) dst(%dma_wait3A_164 : memref<528x128xf32, #tpu.memory_space<vmem_shared>>)
      tpu.yield
    }) : () -> ()
    %dma_wait3A_37 = tpu.memref_slice %arg2[%add3A_34] : memref<102400xi32, #tpu.memory_space<hbm>> -> memref<128xi32, #tpu.memory_space<hbm>>
    %dma_wait3A_38 = tpu.memref_slice %arg2[%add3A_34] : memref<102400xi32, #tpu.memory_space<hbm>> -> memref<128xi32, #tpu.memory_space<hbm>>
    tpu.wait_dma2 semaphore(%arg10 : memref<!tpu.dma_semaphore, #tpu.memory_space<semaphore_mem>>) src(%dma_wait3A_38 : memref<128xi32, #tpu.memory_space<hbm>>) dst(%arg7 : memref<128xi32, #tpu.memory_space<vmem>>)
    %add3A_39 = arith.constant 768 : i32
    %add3A_40 = arith.addi %mul3A_4, %add3A_39 : i32
    %dma_start3A_41 = tpu.memref_slice %arg2[%add3A_40] : memref<102400xi32, #tpu.memory_space<hbm>> -> memref<128xi32, #tpu.memory_space<hbm>>
    %dma_start3A_42 = tpu.memref_slice %arg2[%add3A_40] : memref<102400xi32, #tpu.memory_space<hbm>> -> memref<128xi32, #tpu.memory_space<hbm>>
    tpu.enqueue_dma source(%dma_start3A_42 : memref<128xi32, #tpu.memory_space<hbm>>) target(%arg6 : memref<128xi32, #tpu.memory_space<vmem>>) target_semaphore(%arg9 : memref<!tpu.dma_semaphore, #tpu.memory_space<semaphore_mem>>)
    "tpu.region"() ({
      %run_scoped3A = tpu.sem_alloc : memref<!tpu.dma_semaphore, #tpu.memory_space<semaphore_mem>>
      %dma_start3A_159 = arith.constant 0 : i32
      %dma_start3A_160 = arith.constant 0 : i32
      %dma_start3A_161 = tpu.memref_slice %arg11[%dma_start3A_159, %dma_start3A_160] : memref<528x128xf32, #tpu.memory_space<vmem_shared>> -> memref<528x128xf32, #tpu.memory_space<vmem_shared>>
      tpu.enqueue_indirect_dma source(%arg8 : memref<128x128xf32, #tpu.memory_space<vmem>>) target(%dma_start3A_161 : memref<528x128xf32, #tpu.memory_space<vmem_shared>>) offsets(%arg7 : memref<128xi32, #tpu.memory_space<vmem>>) semaphore(%run_scoped3A : memref<!tpu.dma_semaphore, #tpu.memory_space<semaphore_mem>>) {add = true}
      %dma_wait3A_162 = arith.constant 0 : i32
      %dma_wait3A_163 = arith.constant 0 : i32
      %dma_wait3A_164 = tpu.memref_slice %arg11[%dma_wait3A_162, %dma_wait3A_163] : memref<528x128xf32, #tpu.memory_space<vmem_shared>> -> memref<528x128xf32, #tpu.memory_space<vmem_shared>>
      tpu.wait_indirect_dma semaphore(%run_scoped3A : memref<!tpu.dma_semaphore, #tpu.memory_space<semaphore_mem>>) src(%arg8 : memref<128x128xf32, #tpu.memory_space<vmem>>) dst(%dma_wait3A_164 : memref<528x128xf32, #tpu.memory_space<vmem_shared>>)
      tpu.yield
    }) : () -> ()
    %dma_wait3A_43 = tpu.memref_slice %arg2[%add3A_40] : memref<102400xi32, #tpu.memory_space<hbm>> -> memref<128xi32, #tpu.memory_space<hbm>>
    %dma_wait3A_44 = tpu.memref_slice %arg2[%add3A_40] : memref<102400xi32, #tpu.memory_space<hbm>> -> memref<128xi32, #tpu.memory_space<hbm>>
    tpu.wait_dma2 semaphore(%arg9 : memref<!tpu.dma_semaphore, #tpu.memory_space<semaphore_mem>>) src(%dma_wait3A_44 : memref<128xi32, #tpu.memory_space<hbm>>) dst(%arg6 : memref<128xi32, #tpu.memory_space<vmem>>)
    %add3A_45 = arith.constant 896 : i32
    %add3A_46 = arith.addi %mul3A_4, %add3A_45 : i32
    %dma_start3A_47 = tpu.memref_slice %arg2[%add3A_46] : memref<102400xi32, #tpu.memory_space<hbm>> -> memref<128xi32, #tpu.memory_space<hbm>>
    %dma_start3A_48 = tpu.memref_slice %arg2[%add3A_46] : memref<102400xi32, #tpu.memory_space<hbm>> -> memref<128xi32, #tpu.memory_space<hbm>>
    tpu.enqueue_dma source(%dma_start3A_48 : memref<128xi32, #tpu.memory_space<hbm>>) target(%arg7 : memref<128xi32, #tpu.memory_space<vmem>>) target_semaphore(%arg10 : memref<!tpu.dma_semaphore, #tpu.memory_space<semaphore_mem>>)
    "tpu.region"() ({
      %run_scoped3A = tpu.sem_alloc : memref<!tpu.dma_semaphore, #tpu.memory_space<semaphore_mem>>
      %dma_start3A_159 = arith.constant 0 : i32
      %dma_start3A_160 = arith.constant 0 : i32
      %dma_start3A_161 = tpu.memref_slice %arg11[%dma_start3A_159, %dma_start3A_160] : memref<528x128xf32, #tpu.memory_space<vmem_shared>> -> memref<528x128xf32, #tpu.memory_space<vmem_shared>>
      tpu.enqueue_indirect_dma source(%arg8 : memref<128x128xf32, #tpu.memory_space<vmem>>) target(%dma_start3A_161 : memref<528x128xf32, #tpu.memory_space<vmem_shared>>) offsets(%arg6 : memref<128xi32, #tpu.memory_space<vmem>>) semaphore(%run_scoped3A : memref<!tpu.dma_semaphore, #tpu.memory_space<semaphore_mem>>) {add = true}
      %dma_wait3A_162 = arith.constant 0 : i32
      %dma_wait3A_163 = arith.constant 0 : i32
      %dma_wait3A_164 = tpu.memref_slice %arg11[%dma_wait3A_162, %dma_wait3A_163] : memref<528x128xf32, #tpu.memory_space<vmem_shared>> -> memref<528x128xf32, #tpu.memory_space<vmem_shared>>
      tpu.wait_indirect_dma semaphore(%run_scoped3A : memref<!tpu.dma_semaphore, #tpu.memory_space<semaphore_mem>>) src(%arg8 : memref<128x128xf32, #tpu.memory_space<vmem>>) dst(%dma_wait3A_164 : memref<528x128xf32, #tpu.memory_space<vmem_shared>>)
      tpu.yield
    }) : () -> ()
    %dma_wait3A_49 = tpu.memref_slice %arg2[%add3A_46] : memref<102400xi32, #tpu.memory_space<hbm>> -> memref<128xi32, #tpu.memory_space<hbm>>
    %dma_wait3A_50 = tpu.memref_slice %arg2[%add3A_46] : memref<102400xi32, #tpu.memory_space<hbm>> -> memref<128xi32, #tpu.memory_space<hbm>>
    tpu.wait_dma2 semaphore(%arg10 : memref<!tpu.dma_semaphore, #tpu.memory_space<semaphore_mem>>) src(%dma_wait3A_50 : memref<128xi32, #tpu.memory_space<hbm>>) dst(%arg7 : memref<128xi32, #tpu.memory_space<vmem>>)
    %add3A_51 = arith.constant 1024 : i32
    %add3A_52 = arith.addi %mul3A_4, %add3A_51 : i32
    %dma_start3A_53 = tpu.memref_slice %arg2[%add3A_52] : memref<102400xi32, #tpu.memory_space<hbm>> -> memref<128xi32, #tpu.memory_space<hbm>>
    %dma_start3A_54 = tpu.memref_slice %arg2[%add3A_52] : memref<102400xi32, #tpu.memory_space<hbm>> -> memref<128xi32, #tpu.memory_space<hbm>>
    tpu.enqueue_dma source(%dma_start3A_54 : memref<128xi32, #tpu.memory_space<hbm>>) target(%arg6 : memref<128xi32, #tpu.memory_space<vmem>>) target_semaphore(%arg9 : memref<!tpu.dma_semaphore, #tpu.memory_space<semaphore_mem>>)
    "tpu.region"() ({
      %run_scoped3A = tpu.sem_alloc : memref<!tpu.dma_semaphore, #tpu.memory_space<semaphore_mem>>
      %dma_start3A_159 = arith.constant 0 : i32
      %dma_start3A_160 = arith.constant 0 : i32
      %dma_start3A_161 = tpu.memref_slice %arg11[%dma_start3A_159, %dma_start3A_160] : memref<528x128xf32, #tpu.memory_space<vmem_shared>> -> memref<528x128xf32, #tpu.memory_space<vmem_shared>>
      tpu.enqueue_indirect_dma source(%arg8 : memref<128x128xf32, #tpu.memory_space<vmem>>) target(%dma_start3A_161 : memref<528x128xf32, #tpu.memory_space<vmem_shared>>) offsets(%arg7 : memref<128xi32, #tpu.memory_space<vmem>>) semaphore(%run_scoped3A : memref<!tpu.dma_semaphore, #tpu.memory_space<semaphore_mem>>) {add = true}
      %dma_wait3A_162 = arith.constant 0 : i32
      %dma_wait3A_163 = arith.constant 0 : i32
      %dma_wait3A_164 = tpu.memref_slice %arg11[%dma_wait3A_162, %dma_wait3A_163] : memref<528x128xf32, #tpu.memory_space<vmem_shared>> -> memref<528x128xf32, #tpu.memory_space<vmem_shared>>
      tpu.wait_indirect_dma semaphore(%run_scoped3A : memref<!tpu.dma_semaphore, #tpu.memory_space<semaphore_mem>>) src(%arg8 : memref<128x128xf32, #tpu.memory_space<vmem>>) dst(%dma_wait3A_164 : memref<528x128xf32, #tpu.memory_space<vmem_shared>>)
      tpu.yield
    }) : () -> ()
    %dma_wait3A_55 = tpu.memref_slice %arg2[%add3A_52] : memref<102400xi32, #tpu.memory_space<hbm>> -> memref<128xi32, #tpu.memory_space<hbm>>
    %dma_wait3A_56 = tpu.memref_slice %arg2[%add3A_52] : memref<102400xi32, #tpu.memory_space<hbm>> -> memref<128xi32, #tpu.memory_space<hbm>>
    tpu.wait_dma2 semaphore(%arg9 : memref<!tpu.dma_semaphore, #tpu.memory_space<semaphore_mem>>) src(%dma_wait3A_56 : memref<128xi32, #tpu.memory_space<hbm>>) dst(%arg6 : memref<128xi32, #tpu.memory_space<vmem>>)
    %add3A_57 = arith.constant 1152 : i32
    %add3A_58 = arith.addi %mul3A_4, %add3A_57 : i32
    %dma_start3A_59 = tpu.memref_slice %arg2[%add3A_58] : memref<102400xi32, #tpu.memory_space<hbm>> -> memref<128xi32, #tpu.memory_space<hbm>>
    %dma_start3A_60 = tpu.memref_slice %arg2[%add3A_58] : memref<102400xi32, #tpu.memory_space<hbm>> -> memref<128xi32, #tpu.memory_space<hbm>>
    tpu.enqueue_dma source(%dma_start3A_60 : memref<128xi32, #tpu.memory_space<hbm>>) target(%arg7 : memref<128xi32, #tpu.memory_space<vmem>>) target_semaphore(%arg10 : memref<!tpu.dma_semaphore, #tpu.memory_space<semaphore_mem>>)
    "tpu.region"() ({
      %run_scoped3A = tpu.sem_alloc : memref<!tpu.dma_semaphore, #tpu.memory_space<semaphore_mem>>
      %dma_start3A_159 = arith.constant 0 : i32
      %dma_start3A_160 = arith.constant 0 : i32
      %dma_start3A_161 = tpu.memref_slice %arg11[%dma_start3A_159, %dma_start3A_160] : memref<528x128xf32, #tpu.memory_space<vmem_shared>> -> memref<528x128xf32, #tpu.memory_space<vmem_shared>>
      tpu.enqueue_indirect_dma source(%arg8 : memref<128x128xf32, #tpu.memory_space<vmem>>) target(%dma_start3A_161 : memref<528x128xf32, #tpu.memory_space<vmem_shared>>) offsets(%arg6 : memref<128xi32, #tpu.memory_space<vmem>>) semaphore(%run_scoped3A : memref<!tpu.dma_semaphore, #tpu.memory_space<semaphore_mem>>) {add = true}
      %dma_wait3A_162 = arith.constant 0 : i32
      %dma_wait3A_163 = arith.constant 0 : i32
      %dma_wait3A_164 = tpu.memref_slice %arg11[%dma_wait3A_162, %dma_wait3A_163] : memref<528x128xf32, #tpu.memory_space<vmem_shared>> -> memref<528x128xf32, #tpu.memory_space<vmem_shared>>
      tpu.wait_indirect_dma semaphore(%run_scoped3A : memref<!tpu.dma_semaphore, #tpu.memory_space<semaphore_mem>>) src(%arg8 : memref<128x128xf32, #tpu.memory_space<vmem>>) dst(%dma_wait3A_164 : memref<528x128xf32, #tpu.memory_space<vmem_shared>>)
      tpu.yield
    }) : () -> ()
    %dma_wait3A_61 = tpu.memref_slice %arg2[%add3A_58] : memref<102400xi32, #tpu.memory_space<hbm>> -> memref<128xi32, #tpu.memory_space<hbm>>
    %dma_wait3A_62 = tpu.memref_slice %arg2[%add3A_58] : memref<102400xi32, #tpu.memory_space<hbm>> -> memref<128xi32, #tpu.memory_space<hbm>>
    tpu.wait_dma2 semaphore(%arg10 : memref<!tpu.dma_semaphore, #tpu.memory_space<semaphore_mem>>) src(%dma_wait3A_62 : memref<128xi32, #tpu.memory_space<hbm>>) dst(%arg7 : memref<128xi32, #tpu.memory_space<vmem>>)
    %add3A_63 = arith.constant 1280 : i32
    %add3A_64 = arith.addi %mul3A_4, %add3A_63 : i32
    %dma_start3A_65 = tpu.memref_slice %arg2[%add3A_64] : memref<102400xi32, #tpu.memory_space<hbm>> -> memref<128xi32, #tpu.memory_space<hbm>>
    %dma_start3A_66 = tpu.memref_slice %arg2[%add3A_64] : memref<102400xi32, #tpu.memory_space<hbm>> -> memref<128xi32, #tpu.memory_space<hbm>>
    tpu.enqueue_dma source(%dma_start3A_66 : memref<128xi32, #tpu.memory_space<hbm>>) target(%arg6 : memref<128xi32, #tpu.memory_space<vmem>>) target_semaphore(%arg9 : memref<!tpu.dma_semaphore, #tpu.memory_space<semaphore_mem>>)
    "tpu.region"() ({
      %run_scoped3A = tpu.sem_alloc : memref<!tpu.dma_semaphore, #tpu.memory_space<semaphore_mem>>
      %dma_start3A_159 = arith.constant 0 : i32
      %dma_start3A_160 = arith.constant 0 : i32
      %dma_start3A_161 = tpu.memref_slice %arg11[%dma_start3A_159, %dma_start3A_160] : memref<528x128xf32, #tpu.memory_space<vmem_shared>> -> memref<528x128xf32, #tpu.memory_space<vmem_shared>>
      tpu.enqueue_indirect_dma source(%arg8 : memref<128x128xf32, #tpu.memory_space<vmem>>) target(%dma_start3A_161 : memref<528x128xf32, #tpu.memory_space<vmem_shared>>) offsets(%arg7 : memref<128xi32, #tpu.memory_space<vmem>>) semaphore(%run_scoped3A : memref<!tpu.dma_semaphore, #tpu.memory_space<semaphore_mem>>) {add = true}
      %dma_wait3A_162 = arith.constant 0 : i32
      %dma_wait3A_163 = arith.constant 0 : i32
      %dma_wait3A_164 = tpu.memref_slice %arg11[%dma_wait3A_162, %dma_wait3A_163] : memref<528x128xf32, #tpu.memory_space<vmem_shared>> -> memref<528x128xf32, #tpu.memory_space<vmem_shared>>
      tpu.wait_indirect_dma semaphore(%run_scoped3A : memref<!tpu.dma_semaphore, #tpu.memory_space<semaphore_mem>>) src(%arg8 : memref<128x128xf32, #tpu.memory_space<vmem>>) dst(%dma_wait3A_164 : memref<528x128xf32, #tpu.memory_space<vmem_shared>>)
      tpu.yield
    }) : () -> ()
    %dma_wait3A_67 = tpu.memref_slice %arg2[%add3A_64] : memref<102400xi32, #tpu.memory_space<hbm>> -> memref<128xi32, #tpu.memory_space<hbm>>
    %dma_wait3A_68 = tpu.memref_slice %arg2[%add3A_64] : memref<102400xi32, #tpu.memory_space<hbm>> -> memref<128xi32, #tpu.memory_space<hbm>>
    tpu.wait_dma2 semaphore(%arg9 : memref<!tpu.dma_semaphore, #tpu.memory_space<semaphore_mem>>) src(%dma_wait3A_68 : memref<128xi32, #tpu.memory_space<hbm>>) dst(%arg6 : memref<128xi32, #tpu.memory_space<vmem>>)
    %add3A_69 = arith.constant 1408 : i32
    %add3A_70 = arith.addi %mul3A_4, %add3A_69 : i32
    %dma_start3A_71 = tpu.memref_slice %arg2[%add3A_70] : memref<102400xi32, #tpu.memory_space<hbm>> -> memref<128xi32, #tpu.memory_space<hbm>>
    %dma_start3A_72 = tpu.memref_slice %arg2[%add3A_70] : memref<102400xi32, #tpu.memory_space<hbm>> -> memref<128xi32, #tpu.memory_space<hbm>>
    tpu.enqueue_dma source(%dma_start3A_72 : memref<128xi32, #tpu.memory_space<hbm>>) target(%arg7 : memref<128xi32, #tpu.memory_space<vmem>>) target_semaphore(%arg10 : memref<!tpu.dma_semaphore, #tpu.memory_space<semaphore_mem>>)
    "tpu.region"() ({
      %run_scoped3A = tpu.sem_alloc : memref<!tpu.dma_semaphore, #tpu.memory_space<semaphore_mem>>
      %dma_start3A_159 = arith.constant 0 : i32
      %dma_start3A_160 = arith.constant 0 : i32
      %dma_start3A_161 = tpu.memref_slice %arg11[%dma_start3A_159, %dma_start3A_160] : memref<528x128xf32, #tpu.memory_space<vmem_shared>> -> memref<528x128xf32, #tpu.memory_space<vmem_shared>>
      tpu.enqueue_indirect_dma source(%arg8 : memref<128x128xf32, #tpu.memory_space<vmem>>) target(%dma_start3A_161 : memref<528x128xf32, #tpu.memory_space<vmem_shared>>) offsets(%arg6 : memref<128xi32, #tpu.memory_space<vmem>>) semaphore(%run_scoped3A : memref<!tpu.dma_semaphore, #tpu.memory_space<semaphore_mem>>) {add = true}
      %dma_wait3A_162 = arith.constant 0 : i32
      %dma_wait3A_163 = arith.constant 0 : i32
      %dma_wait3A_164 = tpu.memref_slice %arg11[%dma_wait3A_162, %dma_wait3A_163] : memref<528x128xf32, #tpu.memory_space<vmem_shared>> -> memref<528x128xf32, #tpu.memory_space<vmem_shared>>
      tpu.wait_indirect_dma semaphore(%run_scoped3A : memref<!tpu.dma_semaphore, #tpu.memory_space<semaphore_mem>>) src(%arg8 : memref<128x128xf32, #tpu.memory_space<vmem>>) dst(%dma_wait3A_164 : memref<528x128xf32, #tpu.memory_space<vmem_shared>>)
      tpu.yield
    }) : () -> ()
    %dma_wait3A_73 = tpu.memref_slice %arg2[%add3A_70] : memref<102400xi32, #tpu.memory_space<hbm>> -> memref<128xi32, #tpu.memory_space<hbm>>
    %dma_wait3A_74 = tpu.memref_slice %arg2[%add3A_70] : memref<102400xi32, #tpu.memory_space<hbm>> -> memref<128xi32, #tpu.memory_space<hbm>>
    tpu.wait_dma2 semaphore(%arg10 : memref<!tpu.dma_semaphore, #tpu.memory_space<semaphore_mem>>) src(%dma_wait3A_74 : memref<128xi32, #tpu.memory_space<hbm>>) dst(%arg7 : memref<128xi32, #tpu.memory_space<vmem>>)
    %add3A_75 = arith.constant 1536 : i32
    %add3A_76 = arith.addi %mul3A_4, %add3A_75 : i32
    %dma_start3A_77 = tpu.memref_slice %arg2[%add3A_76] : memref<102400xi32, #tpu.memory_space<hbm>> -> memref<128xi32, #tpu.memory_space<hbm>>
    %dma_start3A_78 = tpu.memref_slice %arg2[%add3A_76] : memref<102400xi32, #tpu.memory_space<hbm>> -> memref<128xi32, #tpu.memory_space<hbm>>
    tpu.enqueue_dma source(%dma_start3A_78 : memref<128xi32, #tpu.memory_space<hbm>>) target(%arg6 : memref<128xi32, #tpu.memory_space<vmem>>) target_semaphore(%arg9 : memref<!tpu.dma_semaphore, #tpu.memory_space<semaphore_mem>>)
    "tpu.region"() ({
      %run_scoped3A = tpu.sem_alloc : memref<!tpu.dma_semaphore, #tpu.memory_space<semaphore_mem>>
      %dma_start3A_159 = arith.constant 0 : i32
      %dma_start3A_160 = arith.constant 0 : i32
      %dma_start3A_161 = tpu.memref_slice %arg11[%dma_start3A_159, %dma_start3A_160] : memref<528x128xf32, #tpu.memory_space<vmem_shared>> -> memref<528x128xf32, #tpu.memory_space<vmem_shared>>
      tpu.enqueue_indirect_dma source(%arg8 : memref<128x128xf32, #tpu.memory_space<vmem>>) target(%dma_start3A_161 : memref<528x128xf32, #tpu.memory_space<vmem_shared>>) offsets(%arg7 : memref<128xi32, #tpu.memory_space<vmem>>) semaphore(%run_scoped3A : memref<!tpu.dma_semaphore, #tpu.memory_space<semaphore_mem>>) {add = true}
      %dma_wait3A_162 = arith.constant 0 : i32
      %dma_wait3A_163 = arith.constant 0 : i32
      %dma_wait3A_164 = tpu.memref_slice %arg11[%dma_wait3A_162, %dma_wait3A_163] : memref<528x128xf32, #tpu.memory_space<vmem_shared>> -> memref<528x128xf32, #tpu.memory_space<vmem_shared>>
      tpu.wait_indirect_dma semaphore(%run_scoped3A : memref<!tpu.dma_semaphore, #tpu.memory_space<semaphore_mem>>) src(%arg8 : memref<128x128xf32, #tpu.memory_space<vmem>>) dst(%dma_wait3A_164 : memref<528x128xf32, #tpu.memory_space<vmem_shared>>)
      tpu.yield
    }) : () -> ()
    %dma_wait3A_79 = tpu.memref_slice %arg2[%add3A_76] : memref<102400xi32, #tpu.memory_space<hbm>> -> memref<128xi32, #tpu.memory_space<hbm>>
    %dma_wait3A_80 = tpu.memref_slice %arg2[%add3A_76] : memref<102400xi32, #tpu.memory_space<hbm>> -> memref<128xi32, #tpu.memory_space<hbm>>
    tpu.wait_dma2 semaphore(%arg9 : memref<!tpu.dma_semaphore, #tpu.memory_space<semaphore_mem>>) src(%dma_wait3A_80 : memref<128xi32, #tpu.memory_space<hbm>>) dst(%arg6 : memref<128xi32, #tpu.memory_space<vmem>>)
    %add3A_81 = arith.constant 1664 : i32
    %add3A_82 = arith.addi %mul3A_4, %add3A_81 : i32
    %dma_start3A_83 = tpu.memref_slice %arg2[%add3A_82] : memref<102400xi32, #tpu.memory_space<hbm>> -> memref<128xi32, #tpu.memory_space<hbm>>
    %dma_start3A_84 = tpu.memref_slice %arg2[%add3A_82] : memref<102400xi32, #tpu.memory_space<hbm>> -> memref<128xi32, #tpu.memory_space<hbm>>
    tpu.enqueue_dma source(%dma_start3A_84 : memref<128xi32, #tpu.memory_space<hbm>>) target(%arg7 : memref<128xi32, #tpu.memory_space<vmem>>) target_semaphore(%arg10 : memref<!tpu.dma_semaphore, #tpu.memory_space<semaphore_mem>>)
    "tpu.region"() ({
      %run_scoped3A = tpu.sem_alloc : memref<!tpu.dma_semaphore, #tpu.memory_space<semaphore_mem>>
      %dma_start3A_159 = arith.constant 0 : i32
      %dma_start3A_160 = arith.constant 0 : i32
      %dma_start3A_161 = tpu.memref_slice %arg11[%dma_start3A_159, %dma_start3A_160] : memref<528x128xf32, #tpu.memory_space<vmem_shared>> -> memref<528x128xf32, #tpu.memory_space<vmem_shared>>
      tpu.enqueue_indirect_dma source(%arg8 : memref<128x128xf32, #tpu.memory_space<vmem>>) target(%dma_start3A_161 : memref<528x128xf32, #tpu.memory_space<vmem_shared>>) offsets(%arg6 : memref<128xi32, #tpu.memory_space<vmem>>) semaphore(%run_scoped3A : memref<!tpu.dma_semaphore, #tpu.memory_space<semaphore_mem>>) {add = true}
      %dma_wait3A_162 = arith.constant 0 : i32
      %dma_wait3A_163 = arith.constant 0 : i32
      %dma_wait3A_164 = tpu.memref_slice %arg11[%dma_wait3A_162, %dma_wait3A_163] : memref<528x128xf32, #tpu.memory_space<vmem_shared>> -> memref<528x128xf32, #tpu.memory_space<vmem_shared>>
      tpu.wait_indirect_dma semaphore(%run_scoped3A : memref<!tpu.dma_semaphore, #tpu.memory_space<semaphore_mem>>) src(%arg8 : memref<128x128xf32, #tpu.memory_space<vmem>>) dst(%dma_wait3A_164 : memref<528x128xf32, #tpu.memory_space<vmem_shared>>)
      tpu.yield
    }) : () -> ()
    %dma_wait3A_85 = tpu.memref_slice %arg2[%add3A_82] : memref<102400xi32, #tpu.memory_space<hbm>> -> memref<128xi32, #tpu.memory_space<hbm>>
    %dma_wait3A_86 = tpu.memref_slice %arg2[%add3A_82] : memref<102400xi32, #tpu.memory_space<hbm>> -> memref<128xi32, #tpu.memory_space<hbm>>
    tpu.wait_dma2 semaphore(%arg10 : memref<!tpu.dma_semaphore, #tpu.memory_space<semaphore_mem>>) src(%dma_wait3A_86 : memref<128xi32, #tpu.memory_space<hbm>>) dst(%arg7 : memref<128xi32, #tpu.memory_space<vmem>>)
    %add3A_87 = arith.constant 1792 : i32
    %add3A_88 = arith.addi %mul3A_4, %add3A_87 : i32
    %dma_start3A_89 = tpu.memref_slice %arg2[%add3A_88] : memref<102400xi32, #tpu.memory_space<hbm>> -> memref<128xi32, #tpu.memory_space<hbm>>
    %dma_start3A_90 = tpu.memref_slice %arg2[%add3A_88] : memref<102400xi32, #tpu.memory_space<hbm>> -> memref<128xi32, #tpu.memory_space<hbm>>
    tpu.enqueue_dma source(%dma_start3A_90 : memref<128xi32, #tpu.memory_space<hbm>>) target(%arg6 : memref<128xi32, #tpu.memory_space<vmem>>) target_semaphore(%arg9 : memref<!tpu.dma_semaphore, #tpu.memory_space<semaphore_mem>>)
    "tpu.region"() ({
      %run_scoped3A = tpu.sem_alloc : memref<!tpu.dma_semaphore, #tpu.memory_space<semaphore_mem>>
      %dma_start3A_159 = arith.constant 0 : i32
      %dma_start3A_160 = arith.constant 0 : i32
      %dma_start3A_161 = tpu.memref_slice %arg11[%dma_start3A_159, %dma_start3A_160] : memref<528x128xf32, #tpu.memory_space<vmem_shared>> -> memref<528x128xf32, #tpu.memory_space<vmem_shared>>
      tpu.enqueue_indirect_dma source(%arg8 : memref<128x128xf32, #tpu.memory_space<vmem>>) target(%dma_start3A_161 : memref<528x128xf32, #tpu.memory_space<vmem_shared>>) offsets(%arg7 : memref<128xi32, #tpu.memory_space<vmem>>) semaphore(%run_scoped3A : memref<!tpu.dma_semaphore, #tpu.memory_space<semaphore_mem>>) {add = true}
      %dma_wait3A_162 = arith.constant 0 : i32
      %dma_wait3A_163 = arith.constant 0 : i32
      %dma_wait3A_164 = tpu.memref_slice %arg11[%dma_wait3A_162, %dma_wait3A_163] : memref<528x128xf32, #tpu.memory_space<vmem_shared>> -> memref<528x128xf32, #tpu.memory_space<vmem_shared>>
      tpu.wait_indirect_dma semaphore(%run_scoped3A : memref<!tpu.dma_semaphore, #tpu.memory_space<semaphore_mem>>) src(%arg8 : memref<128x128xf32, #tpu.memory_space<vmem>>) dst(%dma_wait3A_164 : memref<528x128xf32, #tpu.memory_space<vmem_shared>>)
      tpu.yield
    }) : () -> ()
    %dma_wait3A_91 = tpu.memref_slice %arg2[%add3A_88] : memref<102400xi32, #tpu.memory_space<hbm>> -> memref<128xi32, #tpu.memory_space<hbm>>
    %dma_wait3A_92 = tpu.memref_slice %arg2[%add3A_88] : memref<102400xi32, #tpu.memory_space<hbm>> -> memref<128xi32, #tpu.memory_space<hbm>>
    tpu.wait_dma2 semaphore(%arg9 : memref<!tpu.dma_semaphore, #tpu.memory_space<semaphore_mem>>) src(%dma_wait3A_92 : memref<128xi32, #tpu.memory_space<hbm>>) dst(%arg6 : memref<128xi32, #tpu.memory_space<vmem>>)
    %add3A_93 = arith.constant 1920 : i32
    %add3A_94 = arith.addi %mul3A_4, %add3A_93 : i32
    %dma_start3A_95 = tpu.memref_slice %arg2[%add3A_94] : memref<102400xi32, #tpu.memory_space<hbm>> -> memref<128xi32, #tpu.memory_space<hbm>>
    %dma_start3A_96 = tpu.memref_slice %arg2[%add3A_94] : memref<102400xi32, #tpu.memory_space<hbm>> -> memref<128xi32, #tpu.memory_space<hbm>>
    tpu.enqueue_dma source(%dma_start3A_96 : memref<128xi32, #tpu.memory_space<hbm>>) target(%arg7 : memref<128xi32, #tpu.memory_space<vmem>>) target_semaphore(%arg10 : memref<!tpu.dma_semaphore, #tpu.memory_space<semaphore_mem>>)
    "tpu.region"() ({
      %run_scoped3A = tpu.sem_alloc : memref<!tpu.dma_semaphore, #tpu.memory_space<semaphore_mem>>
      %dma_start3A_159 = arith.constant 0 : i32
      %dma_start3A_160 = arith.constant 0 : i32
      %dma_start3A_161 = tpu.memref_slice %arg11[%dma_start3A_159, %dma_start3A_160] : memref<528x128xf32, #tpu.memory_space<vmem_shared>> -> memref<528x128xf32, #tpu.memory_space<vmem_shared>>
      tpu.enqueue_indirect_dma source(%arg8 : memref<128x128xf32, #tpu.memory_space<vmem>>) target(%dma_start3A_161 : memref<528x128xf32, #tpu.memory_space<vmem_shared>>) offsets(%arg6 : memref<128xi32, #tpu.memory_space<vmem>>) semaphore(%run_scoped3A : memref<!tpu.dma_semaphore, #tpu.memory_space<semaphore_mem>>) {add = true}
      %dma_wait3A_162 = arith.constant 0 : i32
      %dma_wait3A_163 = arith.constant 0 : i32
      %dma_wait3A_164 = tpu.memref_slice %arg11[%dma_wait3A_162, %dma_wait3A_163] : memref<528x128xf32, #tpu.memory_space<vmem_shared>> -> memref<528x128xf32, #tpu.memory_space<vmem_shared>>
      tpu.wait_indirect_dma semaphore(%run_scoped3A : memref<!tpu.dma_semaphore, #tpu.memory_space<semaphore_mem>>) src(%arg8 : memref<128x128xf32, #tpu.memory_space<vmem>>) dst(%dma_wait3A_164 : memref<528x128xf32, #tpu.memory_space<vmem_shared>>)
      tpu.yield
    }) : () -> ()
    %dma_wait3A_97 = tpu.memref_slice %arg2[%add3A_94] : memref<102400xi32, #tpu.memory_space<hbm>> -> memref<128xi32, #tpu.memory_space<hbm>>
    %dma_wait3A_98 = tpu.memref_slice %arg2[%add3A_94] : memref<102400xi32, #tpu.memory_space<hbm>> -> memref<128xi32, #tpu.memory_space<hbm>>
    tpu.wait_dma2 semaphore(%arg10 : memref<!tpu.dma_semaphore, #tpu.memory_space<semaphore_mem>>) src(%dma_wait3A_98 : memref<128xi32, #tpu.memory_space<hbm>>) dst(%arg7 : memref<128xi32, #tpu.memory_space<vmem>>)
    %add3A_99 = arith.constant 2048 : i32
    %add3A_100 = arith.addi %mul3A_4, %add3A_99 : i32
    %dma_start3A_101 = tpu.memref_slice %arg2[%add3A_100] : memref<102400xi32, #tpu.memory_space<hbm>> -> memref<128xi32, #tpu.memory_space<hbm>>
    %dma_start3A_102 = tpu.memref_slice %arg2[%add3A_100] : memref<102400xi32, #tpu.memory_space<hbm>> -> memref<128xi32, #tpu.memory_space<hbm>>
    tpu.enqueue_dma source(%dma_start3A_102 : memref<128xi32, #tpu.memory_space<hbm>>) target(%arg6 : memref<128xi32, #tpu.memory_space<vmem>>) target_semaphore(%arg9 : memref<!tpu.dma_semaphore, #tpu.memory_space<semaphore_mem>>)
    "tpu.region"() ({
      %run_scoped3A = tpu.sem_alloc : memref<!tpu.dma_semaphore, #tpu.memory_space<semaphore_mem>>
      %dma_start3A_159 = arith.constant 0 : i32
      %dma_start3A_160 = arith.constant 0 : i32
      %dma_start3A_161 = tpu.memref_slice %arg11[%dma_start3A_159, %dma_start3A_160] : memref<528x128xf32, #tpu.memory_space<vmem_shared>> -> memref<528x128xf32, #tpu.memory_space<vmem_shared>>
      tpu.enqueue_indirect_dma source(%arg8 : memref<128x128xf32, #tpu.memory_space<vmem>>) target(%dma_start3A_161 : memref<528x128xf32, #tpu.memory_space<vmem_shared>>) offsets(%arg7 : memref<128xi32, #tpu.memory_space<vmem>>) semaphore(%run_scoped3A : memref<!tpu.dma_semaphore, #tpu.memory_space<semaphore_mem>>) {add = true}
      %dma_wait3A_162 = arith.constant 0 : i32
      %dma_wait3A_163 = arith.constant 0 : i32
      %dma_wait3A_164 = tpu.memref_slice %arg11[%dma_wait3A_162, %dma_wait3A_163] : memref<528x128xf32, #tpu.memory_space<vmem_shared>> -> memref<528x128xf32, #tpu.memory_space<vmem_shared>>
      tpu.wait_indirect_dma semaphore(%run_scoped3A : memref<!tpu.dma_semaphore, #tpu.memory_space<semaphore_mem>>) src(%arg8 : memref<128x128xf32, #tpu.memory_space<vmem>>) dst(%dma_wait3A_164 : memref<528x128xf32, #tpu.memory_space<vmem_shared>>)
      tpu.yield
    }) : () -> ()
    %dma_wait3A_103 = tpu.memref_slice %arg2[%add3A_100] : memref<102400xi32, #tpu.memory_space<hbm>> -> memref<128xi32, #tpu.memory_space<hbm>>
    %dma_wait3A_104 = tpu.memref_slice %arg2[%add3A_100] : memref<102400xi32, #tpu.memory_space<hbm>> -> memref<128xi32, #tpu.memory_space<hbm>>
    tpu.wait_dma2 semaphore(%arg9 : memref<!tpu.dma_semaphore, #tpu.memory_space<semaphore_mem>>) src(%dma_wait3A_104 : memref<128xi32, #tpu.memory_space<hbm>>) dst(%arg6 : memref<128xi32, #tpu.memory_space<vmem>>)
    %add3A_105 = arith.constant 2176 : i32
    %add3A_106 = arith.addi %mul3A_4, %add3A_105 : i32
    %dma_start3A_107 = tpu.memref_slice %arg2[%add3A_106] : memref<102400xi32, #tpu.memory_space<hbm>> -> memref<128xi32, #tpu.memory_space<hbm>>
    %dma_start3A_108 = tpu.memref_slice %arg2[%add3A_106] : memref<102400xi32, #tpu.memory_space<hbm>> -> memref<128xi32, #tpu.memory_space<hbm>>
    tpu.enqueue_dma source(%dma_start3A_108 : memref<128xi32, #tpu.memory_space<hbm>>) target(%arg7 : memref<128xi32, #tpu.memory_space<vmem>>) target_semaphore(%arg10 : memref<!tpu.dma_semaphore, #tpu.memory_space<semaphore_mem>>)
    "tpu.region"() ({
      %run_scoped3A = tpu.sem_alloc : memref<!tpu.dma_semaphore, #tpu.memory_space<semaphore_mem>>
      %dma_start3A_159 = arith.constant 0 : i32
      %dma_start3A_160 = arith.constant 0 : i32
      %dma_start3A_161 = tpu.memref_slice %arg11[%dma_start3A_159, %dma_start3A_160] : memref<528x128xf32, #tpu.memory_space<vmem_shared>> -> memref<528x128xf32, #tpu.memory_space<vmem_shared>>
      tpu.enqueue_indirect_dma source(%arg8 : memref<128x128xf32, #tpu.memory_space<vmem>>) target(%dma_start3A_161 : memref<528x128xf32, #tpu.memory_space<vmem_shared>>) offsets(%arg6 : memref<128xi32, #tpu.memory_space<vmem>>) semaphore(%run_scoped3A : memref<!tpu.dma_semaphore, #tpu.memory_space<semaphore_mem>>) {add = true}
      %dma_wait3A_162 = arith.constant 0 : i32
      %dma_wait3A_163 = arith.constant 0 : i32
      %dma_wait3A_164 = tpu.memref_slice %arg11[%dma_wait3A_162, %dma_wait3A_163] : memref<528x128xf32, #tpu.memory_space<vmem_shared>> -> memref<528x128xf32, #tpu.memory_space<vmem_shared>>
      tpu.wait_indirect_dma semaphore(%run_scoped3A : memref<!tpu.dma_semaphore, #tpu.memory_space<semaphore_mem>>) src(%arg8 : memref<128x128xf32, #tpu.memory_space<vmem>>) dst(%dma_wait3A_164 : memref<528x128xf32, #tpu.memory_space<vmem_shared>>)
      tpu.yield
    }) : () -> ()
    %dma_wait3A_109 = tpu.memref_slice %arg2[%add3A_106] : memref<102400xi32, #tpu.memory_space<hbm>> -> memref<128xi32, #tpu.memory_space<hbm>>
    %dma_wait3A_110 = tpu.memref_slice %arg2[%add3A_106] : memref<102400xi32, #tpu.memory_space<hbm>> -> memref<128xi32, #tpu.memory_space<hbm>>
    tpu.wait_dma2 semaphore(%arg10 : memref<!tpu.dma_semaphore, #tpu.memory_space<semaphore_mem>>) src(%dma_wait3A_110 : memref<128xi32, #tpu.memory_space<hbm>>) dst(%arg7 : memref<128xi32, #tpu.memory_space<vmem>>)
    %add3A_111 = arith.constant 2304 : i32
    %add3A_112 = arith.addi %mul3A_4, %add3A_111 : i32
    %dma_start3A_113 = tpu.memref_slice %arg2[%add3A_112] : memref<102400xi32, #tpu.memory_space<hbm>> -> memref<128xi32, #tpu.memory_space<hbm>>
    %dma_start3A_114 = tpu.memref_slice %arg2[%add3A_112] : memref<102400xi32, #tpu.memory_space<hbm>> -> memref<128xi32, #tpu.memory_space<hbm>>
    tpu.enqueue_dma source(%dma_start3A_114 : memref<128xi32, #tpu.memory_space<hbm>>) target(%arg6 : memref<128xi32, #tpu.memory_space<vmem>>) target_semaphore(%arg9 : memref<!tpu.dma_semaphore, #tpu.memory_space<semaphore_mem>>)
    "tpu.region"() ({
      %run_scoped3A = tpu.sem_alloc : memref<!tpu.dma_semaphore, #tpu.memory_space<semaphore_mem>>
      %dma_start3A_159 = arith.constant 0 : i32
      %dma_start3A_160 = arith.constant 0 : i32
      %dma_start3A_161 = tpu.memref_slice %arg11[%dma_start3A_159, %dma_start3A_160] : memref<528x128xf32, #tpu.memory_space<vmem_shared>> -> memref<528x128xf32, #tpu.memory_space<vmem_shared>>
      tpu.enqueue_indirect_dma source(%arg8 : memref<128x128xf32, #tpu.memory_space<vmem>>) target(%dma_start3A_161 : memref<528x128xf32, #tpu.memory_space<vmem_shared>>) offsets(%arg7 : memref<128xi32, #tpu.memory_space<vmem>>) semaphore(%run_scoped3A : memref<!tpu.dma_semaphore, #tpu.memory_space<semaphore_mem>>) {add = true}
      %dma_wait3A_162 = arith.constant 0 : i32
      %dma_wait3A_163 = arith.constant 0 : i32
      %dma_wait3A_164 = tpu.memref_slice %arg11[%dma_wait3A_162, %dma_wait3A_163] : memref<528x128xf32, #tpu.memory_space<vmem_shared>> -> memref<528x128xf32, #tpu.memory_space<vmem_shared>>
      tpu.wait_indirect_dma semaphore(%run_scoped3A : memref<!tpu.dma_semaphore, #tpu.memory_space<semaphore_mem>>) src(%arg8 : memref<128x128xf32, #tpu.memory_space<vmem>>) dst(%dma_wait3A_164 : memref<528x128xf32, #tpu.memory_space<vmem_shared>>)
      tpu.yield
    }) : () -> ()
    %dma_wait3A_115 = tpu.memref_slice %arg2[%add3A_112] : memref<102400xi32, #tpu.memory_space<hbm>> -> memref<128xi32, #tpu.memory_space<hbm>>
    %dma_wait3A_116 = tpu.memref_slice %arg2[%add3A_112] : memref<102400xi32, #tpu.memory_space<hbm>> -> memref<128xi32, #tpu.memory_space<hbm>>
    tpu.wait_dma2 semaphore(%arg9 : memref<!tpu.dma_semaphore, #tpu.memory_space<semaphore_mem>>) src(%dma_wait3A_116 : memref<128xi32, #tpu.memory_space<hbm>>) dst(%arg6 : memref<128xi32, #tpu.memory_space<vmem>>)
    %add3A_117 = arith.constant 2432 : i32
    %add3A_118 = arith.addi %mul3A_4, %add3A_117 : i32
    %dma_start3A_119 = tpu.memref_slice %arg2[%add3A_118] : memref<102400xi32, #tpu.memory_space<hbm>> -> memref<128xi32, #tpu.memory_space<hbm>>
    %dma_start3A_120 = tpu.memref_slice %arg2[%add3A_118] : memref<102400xi32, #tpu.memory_space<hbm>> -> memref<128xi32, #tpu.memory_space<hbm>>
    tpu.enqueue_dma source(%dma_start3A_120 : memref<128xi32, #tpu.memory_space<hbm>>) target(%arg7 : memref<128xi32, #tpu.memory_space<vmem>>) target_semaphore(%arg10 : memref<!tpu.dma_semaphore, #tpu.memory_space<semaphore_mem>>)
    "tpu.region"() ({
      %run_scoped3A = tpu.sem_alloc : memref<!tpu.dma_semaphore, #tpu.memory_space<semaphore_mem>>
      %dma_start3A_159 = arith.constant 0 : i32
      %dma_start3A_160 = arith.constant 0 : i32
      %dma_start3A_161 = tpu.memref_slice %arg11[%dma_start3A_159, %dma_start3A_160] : memref<528x128xf32, #tpu.memory_space<vmem_shared>> -> memref<528x128xf32, #tpu.memory_space<vmem_shared>>
      tpu.enqueue_indirect_dma source(%arg8 : memref<128x128xf32, #tpu.memory_space<vmem>>) target(%dma_start3A_161 : memref<528x128xf32, #tpu.memory_space<vmem_shared>>) offsets(%arg6 : memref<128xi32, #tpu.memory_space<vmem>>) semaphore(%run_scoped3A : memref<!tpu.dma_semaphore, #tpu.memory_space<semaphore_mem>>) {add = true}
      %dma_wait3A_162 = arith.constant 0 : i32
      %dma_wait3A_163 = arith.constant 0 : i32
      %dma_wait3A_164 = tpu.memref_slice %arg11[%dma_wait3A_162, %dma_wait3A_163] : memref<528x128xf32, #tpu.memory_space<vmem_shared>> -> memref<528x128xf32, #tpu.memory_space<vmem_shared>>
      tpu.wait_indirect_dma semaphore(%run_scoped3A : memref<!tpu.dma_semaphore, #tpu.memory_space<semaphore_mem>>) src(%arg8 : memref<128x128xf32, #tpu.memory_space<vmem>>) dst(%dma_wait3A_164 : memref<528x128xf32, #tpu.memory_space<vmem_shared>>)
      tpu.yield
    }) : () -> ()
    %dma_wait3A_121 = tpu.memref_slice %arg2[%add3A_118] : memref<102400xi32, #tpu.memory_space<hbm>> -> memref<128xi32, #tpu.memory_space<hbm>>
    %dma_wait3A_122 = tpu.memref_slice %arg2[%add3A_118] : memref<102400xi32, #tpu.memory_space<hbm>> -> memref<128xi32, #tpu.memory_space<hbm>>
    tpu.wait_dma2 semaphore(%arg10 : memref<!tpu.dma_semaphore, #tpu.memory_space<semaphore_mem>>) src(%dma_wait3A_122 : memref<128xi32, #tpu.memory_space<hbm>>) dst(%arg7 : memref<128xi32, #tpu.memory_space<vmem>>)
    %add3A_123 = arith.constant 2560 : i32
    %add3A_124 = arith.addi %mul3A_4, %add3A_123 : i32
    %dma_start3A_125 = tpu.memref_slice %arg2[%add3A_124] : memref<102400xi32, #tpu.memory_space<hbm>> -> memref<128xi32, #tpu.memory_space<hbm>>
    %dma_start3A_126 = tpu.memref_slice %arg2[%add3A_124] : memref<102400xi32, #tpu.memory_space<hbm>> -> memref<128xi32, #tpu.memory_space<hbm>>
    tpu.enqueue_dma source(%dma_start3A_126 : memref<128xi32, #tpu.memory_space<hbm>>) target(%arg6 : memref<128xi32, #tpu.memory_space<vmem>>) target_semaphore(%arg9 : memref<!tpu.dma_semaphore, #tpu.memory_space<semaphore_mem>>)
    "tpu.region"() ({
      %run_scoped3A = tpu.sem_alloc : memref<!tpu.dma_semaphore, #tpu.memory_space<semaphore_mem>>
      %dma_start3A_159 = arith.constant 0 : i32
      %dma_start3A_160 = arith.constant 0 : i32
      %dma_start3A_161 = tpu.memref_slice %arg11[%dma_start3A_159, %dma_start3A_160] : memref<528x128xf32, #tpu.memory_space<vmem_shared>> -> memref<528x128xf32, #tpu.memory_space<vmem_shared>>
      tpu.enqueue_indirect_dma source(%arg8 : memref<128x128xf32, #tpu.memory_space<vmem>>) target(%dma_start3A_161 : memref<528x128xf32, #tpu.memory_space<vmem_shared>>) offsets(%arg7 : memref<128xi32, #tpu.memory_space<vmem>>) semaphore(%run_scoped3A : memref<!tpu.dma_semaphore, #tpu.memory_space<semaphore_mem>>) {add = true}
      %dma_wait3A_162 = arith.constant 0 : i32
      %dma_wait3A_163 = arith.constant 0 : i32
      %dma_wait3A_164 = tpu.memref_slice %arg11[%dma_wait3A_162, %dma_wait3A_163] : memref<528x128xf32, #tpu.memory_space<vmem_shared>> -> memref<528x128xf32, #tpu.memory_space<vmem_shared>>
      tpu.wait_indirect_dma semaphore(%run_scoped3A : memref<!tpu.dma_semaphore, #tpu.memory_space<semaphore_mem>>) src(%arg8 : memref<128x128xf32, #tpu.memory_space<vmem>>) dst(%dma_wait3A_164 : memref<528x128xf32, #tpu.memory_space<vmem_shared>>)
      tpu.yield
    }) : () -> ()
    %dma_wait3A_127 = tpu.memref_slice %arg2[%add3A_124] : memref<102400xi32, #tpu.memory_space<hbm>> -> memref<128xi32, #tpu.memory_space<hbm>>
    %dma_wait3A_128 = tpu.memref_slice %arg2[%add3A_124] : memref<102400xi32, #tpu.memory_space<hbm>> -> memref<128xi32, #tpu.memory_space<hbm>>
    tpu.wait_dma2 semaphore(%arg9 : memref<!tpu.dma_semaphore, #tpu.memory_space<semaphore_mem>>) src(%dma_wait3A_128 : memref<128xi32, #tpu.memory_space<hbm>>) dst(%arg6 : memref<128xi32, #tpu.memory_space<vmem>>)
    %add3A_129 = arith.constant 2688 : i32
    %add3A_130 = arith.addi %mul3A_4, %add3A_129 : i32
    %dma_start3A_131 = tpu.memref_slice %arg2[%add3A_130] : memref<102400xi32, #tpu.memory_space<hbm>> -> memref<128xi32, #tpu.memory_space<hbm>>
    %dma_start3A_132 = tpu.memref_slice %arg2[%add3A_130] : memref<102400xi32, #tpu.memory_space<hbm>> -> memref<128xi32, #tpu.memory_space<hbm>>
    tpu.enqueue_dma source(%dma_start3A_132 : memref<128xi32, #tpu.memory_space<hbm>>) target(%arg7 : memref<128xi32, #tpu.memory_space<vmem>>) target_semaphore(%arg10 : memref<!tpu.dma_semaphore, #tpu.memory_space<semaphore_mem>>)
    "tpu.region"() ({
      %run_scoped3A = tpu.sem_alloc : memref<!tpu.dma_semaphore, #tpu.memory_space<semaphore_mem>>
      %dma_start3A_159 = arith.constant 0 : i32
      %dma_start3A_160 = arith.constant 0 : i32
      %dma_start3A_161 = tpu.memref_slice %arg11[%dma_start3A_159, %dma_start3A_160] : memref<528x128xf32, #tpu.memory_space<vmem_shared>> -> memref<528x128xf32, #tpu.memory_space<vmem_shared>>
      tpu.enqueue_indirect_dma source(%arg8 : memref<128x128xf32, #tpu.memory_space<vmem>>) target(%dma_start3A_161 : memref<528x128xf32, #tpu.memory_space<vmem_shared>>) offsets(%arg6 : memref<128xi32, #tpu.memory_space<vmem>>) semaphore(%run_scoped3A : memref<!tpu.dma_semaphore, #tpu.memory_space<semaphore_mem>>) {add = true}
      %dma_wait3A_162 = arith.constant 0 : i32
      %dma_wait3A_163 = arith.constant 0 : i32
      %dma_wait3A_164 = tpu.memref_slice %arg11[%dma_wait3A_162, %dma_wait3A_163] : memref<528x128xf32, #tpu.memory_space<vmem_shared>> -> memref<528x128xf32, #tpu.memory_space<vmem_shared>>
      tpu.wait_indirect_dma semaphore(%run_scoped3A : memref<!tpu.dma_semaphore, #tpu.memory_space<semaphore_mem>>) src(%arg8 : memref<128x128xf32, #tpu.memory_space<vmem>>) dst(%dma_wait3A_164 : memref<528x128xf32, #tpu.memory_space<vmem_shared>>)
      tpu.yield
    }) : () -> ()
    %dma_wait3A_133 = tpu.memref_slice %arg2[%add3A_130] : memref<102400xi32, #tpu.memory_space<hbm>> -> memref<128xi32, #tpu.memory_space<hbm>>
    %dma_wait3A_134 = tpu.memref_slice %arg2[%add3A_130] : memref<102400xi32, #tpu.memory_space<hbm>> -> memref<128xi32, #tpu.memory_space<hbm>>
    tpu.wait_dma2 semaphore(%arg10 : memref<!tpu.dma_semaphore, #tpu.memory_space<semaphore_mem>>) src(%dma_wait3A_134 : memref<128xi32, #tpu.memory_space<hbm>>) dst(%arg7 : memref<128xi32, #tpu.memory_space<vmem>>)
    %add3A_135 = arith.constant 2816 : i32
    %add3A_136 = arith.addi %mul3A_4, %add3A_135 : i32
    %dma_start3A_137 = tpu.memref_slice %arg2[%add3A_136] : memref<102400xi32, #tpu.memory_space<hbm>> -> memref<128xi32, #tpu.memory_space<hbm>>
    %dma_start3A_138 = tpu.memref_slice %arg2[%add3A_136] : memref<102400xi32, #tpu.memory_space<hbm>> -> memref<128xi32, #tpu.memory_space<hbm>>
    tpu.enqueue_dma source(%dma_start3A_138 : memref<128xi32, #tpu.memory_space<hbm>>) target(%arg6 : memref<128xi32, #tpu.memory_space<vmem>>) target_semaphore(%arg9 : memref<!tpu.dma_semaphore, #tpu.memory_space<semaphore_mem>>)
    "tpu.region"() ({
      %run_scoped3A = tpu.sem_alloc : memref<!tpu.dma_semaphore, #tpu.memory_space<semaphore_mem>>
      %dma_start3A_159 = arith.constant 0 : i32
      %dma_start3A_160 = arith.constant 0 : i32
      %dma_start3A_161 = tpu.memref_slice %arg11[%dma_start3A_159, %dma_start3A_160] : memref<528x128xf32, #tpu.memory_space<vmem_shared>> -> memref<528x128xf32, #tpu.memory_space<vmem_shared>>
      tpu.enqueue_indirect_dma source(%arg8 : memref<128x128xf32, #tpu.memory_space<vmem>>) target(%dma_start3A_161 : memref<528x128xf32, #tpu.memory_space<vmem_shared>>) offsets(%arg7 : memref<128xi32, #tpu.memory_space<vmem>>) semaphore(%run_scoped3A : memref<!tpu.dma_semaphore, #tpu.memory_space<semaphore_mem>>) {add = true}
      %dma_wait3A_162 = arith.constant 0 : i32
      %dma_wait3A_163 = arith.constant 0 : i32
      %dma_wait3A_164 = tpu.memref_slice %arg11[%dma_wait3A_162, %dma_wait3A_163] : memref<528x128xf32, #tpu.memory_space<vmem_shared>> -> memref<528x128xf32, #tpu.memory_space<vmem_shared>>
      tpu.wait_indirect_dma semaphore(%run_scoped3A : memref<!tpu.dma_semaphore, #tpu.memory_space<semaphore_mem>>) src(%arg8 : memref<128x128xf32, #tpu.memory_space<vmem>>) dst(%dma_wait3A_164 : memref<528x128xf32, #tpu.memory_space<vmem_shared>>)
      tpu.yield
    }) : () -> ()
    %dma_wait3A_139 = tpu.memref_slice %arg2[%add3A_136] : memref<102400xi32, #tpu.memory_space<hbm>> -> memref<128xi32, #tpu.memory_space<hbm>>
    %dma_wait3A_140 = tpu.memref_slice %arg2[%add3A_136] : memref<102400xi32, #tpu.memory_space<hbm>> -> memref<128xi32, #tpu.memory_space<hbm>>
    tpu.wait_dma2 semaphore(%arg9 : memref<!tpu.dma_semaphore, #tpu.memory_space<semaphore_mem>>) src(%dma_wait3A_140 : memref<128xi32, #tpu.memory_space<hbm>>) dst(%arg6 : memref<128xi32, #tpu.memory_space<vmem>>)
    %add3A_141 = arith.constant 2944 : i32
    %add3A_142 = arith.addi %mul3A_4, %add3A_141 : i32
    %dma_start3A_143 = tpu.memref_slice %arg2[%add3A_142] : memref<102400xi32, #tpu.memory_space<hbm>> -> memref<128xi32, #tpu.memory_space<hbm>>
    %dma_start3A_144 = tpu.memref_slice %arg2[%add3A_142] : memref<102400xi32, #tpu.memory_space<hbm>> -> memref<128xi32, #tpu.memory_space<hbm>>
    tpu.enqueue_dma source(%dma_start3A_144 : memref<128xi32, #tpu.memory_space<hbm>>) target(%arg7 : memref<128xi32, #tpu.memory_space<vmem>>) target_semaphore(%arg10 : memref<!tpu.dma_semaphore, #tpu.memory_space<semaphore_mem>>)
    "tpu.region"() ({
      %run_scoped3A = tpu.sem_alloc : memref<!tpu.dma_semaphore, #tpu.memory_space<semaphore_mem>>
      %dma_start3A_159 = arith.constant 0 : i32
      %dma_start3A_160 = arith.constant 0 : i32
      %dma_start3A_161 = tpu.memref_slice %arg11[%dma_start3A_159, %dma_start3A_160] : memref<528x128xf32, #tpu.memory_space<vmem_shared>> -> memref<528x128xf32, #tpu.memory_space<vmem_shared>>
      tpu.enqueue_indirect_dma source(%arg8 : memref<128x128xf32, #tpu.memory_space<vmem>>) target(%dma_start3A_161 : memref<528x128xf32, #tpu.memory_space<vmem_shared>>) offsets(%arg6 : memref<128xi32, #tpu.memory_space<vmem>>) semaphore(%run_scoped3A : memref<!tpu.dma_semaphore, #tpu.memory_space<semaphore_mem>>) {add = true}
      %dma_wait3A_162 = arith.constant 0 : i32
      %dma_wait3A_163 = arith.constant 0 : i32
      %dma_wait3A_164 = tpu.memref_slice %arg11[%dma_wait3A_162, %dma_wait3A_163] : memref<528x128xf32, #tpu.memory_space<vmem_shared>> -> memref<528x128xf32, #tpu.memory_space<vmem_shared>>
      tpu.wait_indirect_dma semaphore(%run_scoped3A : memref<!tpu.dma_semaphore, #tpu.memory_space<semaphore_mem>>) src(%arg8 : memref<128x128xf32, #tpu.memory_space<vmem>>) dst(%dma_wait3A_164 : memref<528x128xf32, #tpu.memory_space<vmem_shared>>)
      tpu.yield
    }) : () -> ()
    %dma_wait3A_145 = tpu.memref_slice %arg2[%add3A_142] : memref<102400xi32, #tpu.memory_space<hbm>> -> memref<128xi32, #tpu.memory_space<hbm>>
    %dma_wait3A_146 = tpu.memref_slice %arg2[%add3A_142] : memref<102400xi32, #tpu.memory_space<hbm>> -> memref<128xi32, #tpu.memory_space<hbm>>
    tpu.wait_dma2 semaphore(%arg10 : memref<!tpu.dma_semaphore, #tpu.memory_space<semaphore_mem>>) src(%dma_wait3A_146 : memref<128xi32, #tpu.memory_space<hbm>>) dst(%arg7 : memref<128xi32, #tpu.memory_space<vmem>>)
    %add3A_147 = arith.constant 3072 : i32
    %add3A_148 = arith.addi %mul3A_4, %add3A_147 : i32
    %dma_start3A_149 = tpu.memref_slice %arg2[%add3A_148] : memref<102400xi32, #tpu.memory_space<hbm>> -> memref<128xi32, #tpu.memory_space<hbm>>
    %dma_start3A_150 = tpu.memref_slice %arg2[%add3A_148] : memref<102400xi32, #tpu.memory_space<hbm>> -> memref<128xi32, #tpu.memory_space<hbm>>
    tpu.enqueue_dma source(%dma_start3A_150 : memref<128xi32, #tpu.memory_space<hbm>>) target(%arg6 : memref<128xi32, #tpu.memory_space<vmem>>) target_semaphore(%arg9 : memref<!tpu.dma_semaphore, #tpu.memory_space<semaphore_mem>>)
    "tpu.region"() ({
      %run_scoped3A = tpu.sem_alloc : memref<!tpu.dma_semaphore, #tpu.memory_space<semaphore_mem>>
      %dma_start3A_159 = arith.constant 0 : i32
      %dma_start3A_160 = arith.constant 0 : i32
      %dma_start3A_161 = tpu.memref_slice %arg11[%dma_start3A_159, %dma_start3A_160] : memref<528x128xf32, #tpu.memory_space<vmem_shared>> -> memref<528x128xf32, #tpu.memory_space<vmem_shared>>
      tpu.enqueue_indirect_dma source(%arg8 : memref<128x128xf32, #tpu.memory_space<vmem>>) target(%dma_start3A_161 : memref<528x128xf32, #tpu.memory_space<vmem_shared>>) offsets(%arg7 : memref<128xi32, #tpu.memory_space<vmem>>) semaphore(%run_scoped3A : memref<!tpu.dma_semaphore, #tpu.memory_space<semaphore_mem>>) {add = true}
      %dma_wait3A_162 = arith.constant 0 : i32
      %dma_wait3A_163 = arith.constant 0 : i32
      %dma_wait3A_164 = tpu.memref_slice %arg11[%dma_wait3A_162, %dma_wait3A_163] : memref<528x128xf32, #tpu.memory_space<vmem_shared>> -> memref<528x128xf32, #tpu.memory_space<vmem_shared>>
      tpu.wait_indirect_dma semaphore(%run_scoped3A : memref<!tpu.dma_semaphore, #tpu.memory_space<semaphore_mem>>) src(%arg8 : memref<128x128xf32, #tpu.memory_space<vmem>>) dst(%dma_wait3A_164 : memref<528x128xf32, #tpu.memory_space<vmem_shared>>)
      tpu.yield
    }) : () -> ()
    %dma_wait3A_151 = tpu.memref_slice %arg2[%add3A_148] : memref<102400xi32, #tpu.memory_space<hbm>> -> memref<128xi32, #tpu.memory_space<hbm>>
    %dma_wait3A_152 = tpu.memref_slice %arg2[%add3A_148] : memref<102400xi32, #tpu.memory_space<hbm>> -> memref<128xi32, #tpu.memory_space<hbm>>
    tpu.wait_dma2 semaphore(%arg9 : memref<!tpu.dma_semaphore, #tpu.memory_space<semaphore_mem>>) src(%dma_wait3A_152 : memref<128xi32, #tpu.memory_space<hbm>>) dst(%arg6 : memref<128xi32, #tpu.memory_space<vmem>>)
    "tpu.region"() ({
      %run_scoped3A = tpu.sem_alloc : memref<!tpu.dma_semaphore, #tpu.memory_space<semaphore_mem>>
      %dma_start3A_159 = arith.constant 0 : i32
      %dma_start3A_160 = arith.constant 0 : i32
      %dma_start3A_161 = tpu.memref_slice %arg11[%dma_start3A_159, %dma_start3A_160] : memref<528x128xf32, #tpu.memory_space<vmem_shared>> -> memref<528x128xf32, #tpu.memory_space<vmem_shared>>
      tpu.enqueue_indirect_dma source(%arg8 : memref<128x128xf32, #tpu.memory_space<vmem>>) target(%dma_start3A_161 : memref<528x128xf32, #tpu.memory_space<vmem_shared>>) offsets(%arg6 : memref<128xi32, #tpu.memory_space<vmem>>) semaphore(%run_scoped3A : memref<!tpu.dma_semaphore, #tpu.memory_space<semaphore_mem>>) {add = true}
      %dma_wait3A_162 = arith.constant 0 : i32
      %dma_wait3A_163 = arith.constant 0 : i32
      %dma_wait3A_164 = tpu.memref_slice %arg11[%dma_wait3A_162, %dma_wait3A_163] : memref<528x128xf32, #tpu.memory_space<vmem_shared>> -> memref<528x128xf32, #tpu.memory_space<vmem_shared>>
      tpu.wait_indirect_dma semaphore(%run_scoped3A : memref<!tpu.dma_semaphore, #tpu.memory_space<semaphore_mem>>) src(%arg8 : memref<128x128xf32, #tpu.memory_space<vmem>>) dst(%dma_wait3A_164 : memref<528x128xf32, #tpu.memory_space<vmem_shared>>)
      tpu.yield
    }) : () -> ()
    %barrier3A_153 = arith.constant 0 : index
    tpu.barrier barrier_id(%barrier3A_153)
    %eq3A_154 = arith.constant 0 : i32
    %eq3A_155 = arith.cmpi eq, %arg1, %eq3A_154 : i32
    %convert_element_type3A_156 = arith.extui %eq3A_155 : i1 to i32
    %cond3A_157 = arith.constant 0 : i32
    %cond3A_158 = arith.cmpi ne, %convert_element_type3A_156, %cond3A_157 : i32
    scf.if %cond3A_158 {
      "tpu.region"() ({
        %run_scoped3A = tpu.sem_alloc : memref<!tpu.dma_semaphore, #tpu.memory_space<semaphore_mem>>
        %dma_start3A_159 = arith.constant 0 : i32
        %dma_start3A_160 = arith.constant 0 : i32
        %dma_start3A_161 = tpu.memref_slice %arg5[%arg0, %dma_start3A_159, %dma_start3A_160] : memref<2x528x128xf32, #tpu.memory_space<hbm>> -> memref<1x528x128xf32, #tpu.memory_space<hbm>>
        %dma_start3A_162 = tpu.memref_squeeze %dma_start3A_161 : memref<1x528x128xf32, #tpu.memory_space<hbm>> -> memref<528x128xf32, #tpu.memory_space<hbm>>
        tpu.enqueue_dma source(%arg11 : memref<528x128xf32, #tpu.memory_space<vmem_shared>>) target(%dma_start3A_162 : memref<528x128xf32, #tpu.memory_space<hbm>>) target_semaphore(%run_scoped3A : memref<!tpu.dma_semaphore, #tpu.memory_space<semaphore_mem>>)
        %dma_wait3A_163 = arith.constant 0 : i32
        %dma_wait3A_164 = arith.constant 0 : i32
        %dma_wait3A_165 = tpu.memref_slice %arg5[%arg0, %dma_wait3A_163, %dma_wait3A_164] : memref<2x528x128xf32, #tpu.memory_space<hbm>> -> memref<1x528x128xf32, #tpu.memory_space<hbm>>
        %dma_wait3A_166 = tpu.memref_squeeze %dma_wait3A_165 : memref<1x528x128xf32, #tpu.memory_space<hbm>> -> memref<528x128xf32, #tpu.memory_space<hbm>>
        tpu.wait_dma2 semaphore(%run_scoped3A : memref<!tpu.dma_semaphore, #tpu.memory_space<semaphore_mem>>) src(%arg11 : memref<528x128xf32, #tpu.memory_space<vmem_shared>>) dst(%dma_wait3A_166 : memref<528x128xf32, #tpu.memory_space<hbm>>)
        tpu.yield
      }) : () -> ()
    } else {
    }
    return
  }
}

module attributes {stable_mosaic.version = 14 : i64} {
  func.func @_finish_body(%arg0: memref<512x128xf32, #tpu.memory_space<vmem>>, %arg1: memref<2x528x128xf32, #tpu.memory_space<vmem>>, %arg2: memref<128x128xf32, #tpu.memory_space<vmem>>, %arg3: memref<1x128xf32, #tpu.memory_space<vmem>>, %arg4: memref<512x128xf32, #tpu.memory_space<vmem>>) attributes {dimension_semantics = [], scalar_prefetch = 0 : i64, scratch_operands = 0 : i64, tpu.core_type = #tpu.core_type<tc>} {
    %get3A = arith.constant 0 : index
    %get3A_0 = arith.constant 0 : index
    %get3A_1 = arith.constant 0 : index
    %get3A_2 = vector.load %arg1[%get3A, %get3A_0, %get3A_1] : memref<2x528x128xf32, #tpu.memory_space<vmem>>, vector<1x512x1xf32>
    %get3A_3 = vector.shape_cast %get3A_2 : vector<1x512x1xf32> to vector<512x1xf32>
    %get3A_4 = arith.constant 1 : index
    %get3A_5 = arith.constant 0 : index
    %get3A_6 = arith.constant 0 : index
    %get3A_7 = vector.load %arg1[%get3A_4, %get3A_5, %get3A_6] : memref<2x528x128xf32, #tpu.memory_space<vmem>>, vector<1x512x1xf32>
    %get3A_8 = vector.shape_cast %get3A_7 : vector<1x512x1xf32> to vector<512x1xf32>
    %add3A = arith.addf %get3A_3, %get3A_8 : vector<512x1xf32>
    %get3A_9 = arith.constant 0 : index
    %get3A_10 = arith.constant 0 : index
    %get3A_11 = vector.load %arg0[%get3A_9, %get3A_10] : memref<512x128xf32, #tpu.memory_space<vmem>>, vector<512x128xf32>
    %max3A = arith.constant 1.000000e+00 : f32
    %max3A_12 = vector.broadcast %max3A : f32 to vector<512x1xf32>
    %max3A_13 = arith.maximumf %add3A, %max3A_12 : vector<512x1xf32>
    %div3A = vector.broadcast %max3A_13 : vector<512x1xf32> to vector<512x128xf32>
    %div3A_14 = arith.divf %get3A_11, %div3A : vector<512x128xf32>
    %get3A_15 = arith.constant 0 : index
    %get3A_16 = arith.constant 0 : index
    %get3A_17 = vector.load %arg2[%get3A_15, %get3A_16] : memref<128x128xf32, #tpu.memory_space<vmem>>, vector<128x128xf32>
    %dot_general3A = arith.constant dense<0.000000e+00> : vector<512x128xf32>
    %dot_general3A_18 = tpu.matmul %div3A_14, %get3A_17, %dot_general3A {dimension_numbers = #tpu.dot_dimension_numbers<[1], [1], [0], [0], [0, 0, 1, 0], [], []>, transpose_lhs_hint = false} : vector<512x128xf32>, vector<128x128xf32>, vector<512x128xf32> -> vector<512x128xf32>
    %get3A_19 = arith.constant 0 : index
    %get3A_20 = arith.constant 0 : index
    %get3A_21 = vector.load %arg3[%get3A_19, %get3A_20] : memref<1x128xf32, #tpu.memory_space<vmem>>, vector<1x128xf32>
    %add3A_22 = vector.broadcast %get3A_21 : vector<1x128xf32> to vector<512x128xf32>
    %add3A_23 = arith.addf %dot_general3A_18, %add3A_22 : vector<512x128xf32>
    %swap3A = arith.constant 0 : index
    %swap3A_24 = arith.constant 0 : index
    %swap3A_25 = vector.load %arg4[%swap3A, %swap3A_24] : memref<512x128xf32, #tpu.memory_space<vmem>>, vector<512x128xf32>
    tpu.vector_store %arg4[%swap3A, %swap3A_24], %add3A_23 {strides = array<i32>} : memref<512x128xf32, #tpu.memory_space<vmem>>, vector<512x128xf32>,
    return
  }
}

module attributes {stable_mosaic.version = 14 : i64} {
  func.func @_gate_body(%arg0: i32, %arg1: memref<4000x128xf32, #tpu.memory_space<vmem>>, %arg2: memref<1x1x4000xi32, #tpu.memory_space<vmem>>, %arg3: memref<128x128xf32, #tpu.memory_space<vmem>>, %arg4: memref<1x128xf32, #tpu.memory_space<vmem>>, %arg5: memref<128x128xf32, #tpu.memory_space<vmem>>, %arg6: memref<1x128xf32, #tpu.memory_space<vmem>>, %arg7: memref<512x128xf32, #tpu.memory_space<vmem>>, %arg8: memref<512x128xf32, #tpu.memory_space<vmem>>) attributes {dimension_semantics = [#tpu.dimension_semantics<arbitrary>], iteration_bounds = array<i64: 25>, scalar_prefetch = 0 : i64, scratch_operands = 1 : i64, tpu.core_type = #tpu.core_type<tc>, window_params = [{transform_indices = @transform_0, window_bounds = array<i64: 4000, 128>}, {transform_indices = @transform_1, window_bounds = array<i64: 1, 1, 4000>}, {pipeline_mode = #tpu.pipeline_mode<synchronous>, transform_indices = @transform_2, window_bounds = array<i64: 128, 128>}, {pipeline_mode = #tpu.pipeline_mode<synchronous>, transform_indices = @transform_3, window_bounds = array<i64: 1, 128>}, {pipeline_mode = #tpu.pipeline_mode<synchronous>, transform_indices = @transform_4, window_bounds = array<i64: 128, 128>}, {pipeline_mode = #tpu.pipeline_mode<synchronous>, transform_indices = @transform_5, window_bounds = array<i64: 1, 128>}, {pipeline_mode = #tpu.pipeline_mode<synchronous>, transform_indices = @transform_6, window_bounds = array<i64: 512, 128>}]} {
    %eq3A = arith.constant 0 : i32
    %eq3A_0 = arith.cmpi eq, %arg0, %eq3A : i32
    %convert_element_type3A = arith.extui %eq3A_0 : i1 to i32
    %cond3A = arith.constant 0 : i32
    %cond3A_1 = arith.cmpi ne, %convert_element_type3A, %cond3A : i32
    scf.if %cond3A_1 {
      %broadcast_in_dim3A_47 = arith.constant 0.000000e+00 : f32
      %broadcast_in_dim3A_48 = vector.broadcast %broadcast_in_dim3A_47 : f32 to vector<512x128xf32>
      %swap3A_49 = arith.constant 0 : index
      %swap3A_50 = arith.constant 0 : index
      %swap3A_51 = vector.load %arg8[%swap3A_49, %swap3A_50] : memref<512x128xf32, #tpu.memory_space<vmem>>, vector<512x128xf32>
      tpu.vector_store %arg8[%swap3A_49, %swap3A_50], %broadcast_in_dim3A_48 {strides = array<i32>} : memref<512x128xf32, #tpu.memory_space<vmem>>, vector<512x128xf32>,
    } else {
    }
    %get3A = arith.constant 0 : index
    %get3A_2 = arith.constant 0 : index
    %get3A_3 = vector.load %arg1[%get3A, %get3A_2] : memref<4000x128xf32, #tpu.memory_space<vmem>>, vector<4000x128xf32>
    %get3A_4 = arith.constant 0 : index
    %get3A_5 = arith.constant 0 : index
    %get3A_6 = vector.load %arg3[%get3A_4, %get3A_5] : memref<128x128xf32, #tpu.memory_space<vmem>>, vector<128x128xf32>
    %dot_general3A = arith.constant dense<0.000000e+00> : vector<4000x128xf32>
    %dot_general3A_7 = tpu.matmul %get3A_3, %get3A_6, %dot_general3A {dimension_numbers = #tpu.dot_dimension_numbers<[1], [1], [0], [0], [0, 0, 1, 0], [], []>, transpose_lhs_hint = false} : vector<4000x128xf32>, vector<128x128xf32>, vector<4000x128xf32> -> vector<4000x128xf32>
    %get3A_8 = arith.constant 0 : index
    %get3A_9 = arith.constant 0 : index
    %get3A_10 = vector.load %arg4[%get3A_8, %get3A_9] : memref<1x128xf32, #tpu.memory_space<vmem>>, vector<1x128xf32>
    %add3A = vector.broadcast %get3A_10 : vector<1x128xf32> to vector<4000x128xf32>
    %add3A_11 = arith.addf %dot_general3A_7, %add3A : vector<4000x128xf32>
    %get3A_12 = arith.constant 0 : index
    %get3A_13 = arith.constant 0 : index
    %get3A_14 = vector.load %arg5[%get3A_12, %get3A_13] : memref<128x128xf32, #tpu.memory_space<vmem>>, vector<128x128xf32>
    %dot_general3A_15 = arith.constant dense<0.000000e+00> : vector<4000x128xf32>
    %dot_general3A_16 = tpu.matmul %get3A_3, %get3A_14, %dot_general3A_15 {dimension_numbers = #tpu.dot_dimension_numbers<[1], [1], [0], [0], [0, 0, 1, 0], [], []>, transpose_lhs_hint = false} : vector<4000x128xf32>, vector<128x128xf32>, vector<4000x128xf32> -> vector<4000x128xf32>
    %get3A_17 = arith.constant 0 : index
    %get3A_18 = arith.constant 0 : index
    %get3A_19 = vector.load %arg6[%get3A_17, %get3A_18] : memref<1x128xf32, #tpu.memory_space<vmem>>, vector<1x128xf32>
    %add3A_20 = vector.broadcast %get3A_19 : vector<1x128xf32> to vector<4000x128xf32>
    %add3A_21 = arith.addf %dot_general3A_16, %add3A_20 : vector<4000x128xf32>
    %exp3A = math.exp %add3A_21 : vector<4000x128xf32>
    %reduce_sum3A = arith.constant dense<0.000000e+00> : vector<4000xf32>
    %reduce_sum3A_22 = vector.multi_reduction <add>, %exp3A, %reduce_sum3A [1] : vector<4000x128xf32> to vector<4000xf32>
    %broadcast_in_dim3A = vector.shape_cast %reduce_sum3A_22 : vector<4000xf32> to vector<4000x1xf32>
    %div3A = vector.broadcast %broadcast_in_dim3A : vector<4000x1xf32> to vector<4000x128xf32>
    %div3A_23 = arith.divf %exp3A, %div3A : vector<4000x128xf32>
    %mul3A = arith.mulf %add3A_11, %div3A_23 : vector<4000x128xf32>
    %convert_element_type3A_24 = arith.truncf %mul3A : vector<4000x128xf32> to vector<4000x128xbf16>
    %get3A_25 = arith.constant 0 : index
    %get3A_26 = arith.constant 0 : index
    %get3A_27 = arith.constant 0 : index
    %get3A_28 = vector.load %arg2[%get3A_25, %get3A_26, %get3A_27] : memref<1x1x4000xi32, #tpu.memory_space<vmem>>, vector<1x1x4000xi32>
    %reshape3A = vector.shape_cast %get3A_28 : vector<1x1x4000xi32> to vector<1x4000xi32>
    %iota3A = tpu.iota {dimensions = array<i32: 0>} : vector<512x4000xi32>
    %eq3A_29 = vector.broadcast %reshape3A : vector<1x4000xi32> to vector<512x4000xi32>
    %eq3A_30 = arith.cmpi eq, %iota3A, %eq3A_29 : vector<512x4000xi32>
    %convert_element_type3A_31 = arith.extui %eq3A_30 : vector<512x4000xi1> to vector<512x4000xi32>
    %convert_element_type3A_32 = arith.sitofp %convert_element_type3A_31 : vector<512x4000xi32> to vector<512x4000xf32>
    %convert_element_type3A_33 = arith.truncf %convert_element_type3A_32 : vector<512x4000xf32> to vector<512x4000xbf16>
    %get3A_34 = arith.constant 0 : index
    %get3A_35 = arith.constant 0 : index
    %get3A_36 = vector.load %arg8[%get3A_34, %get3A_35] : memref<512x128xf32, #tpu.memory_space<vmem>>, vector<512x128xf32>
    %dot_general3A_37 = arith.constant dense<0.000000e+00> : vector<512x128xf32>
    %dot_general3A_38 = tpu.matmul %convert_element_type3A_33, %convert_element_type3A_24, %dot_general3A_37 {dimension_numbers = #tpu.dot_dimension_numbers<[1], [0], [0], [1], [0, 0, 1, 1], [], []>, transpose_lhs_hint = false} : vector<512x4000xbf16>, vector<4000x128xbf16>, vector<512x128xf32> -> vector<512x128xf32>
    %add3A_39 = arith.addf %get3A_36, %dot_general3A_38 : vector<512x128xf32>
    %swap3A = arith.constant 0 : index
    %swap3A_40 = arith.constant 0 : index
    %swap3A_41 = vector.load %arg8[%swap3A, %swap3A_40] : memref<512x128xf32, #tpu.memory_space<vmem>>, vector<512x128xf32>
    tpu.vector_store %arg8[%swap3A, %swap3A_40], %add3A_39 {strides = array<i32>} : memref<512x128xf32, #tpu.memory_space<vmem>>, vector<512x128xf32>,
    %eq3A_42 = arith.constant 24 : i32
    %eq3A_43 = arith.cmpi eq, %arg0, %eq3A_42 : i32
    %convert_element_type3A_44 = arith.extui %eq3A_43 : i1 to i32
    %cond3A_45 = arith.constant 0 : i32
    %cond3A_46 = arith.cmpi ne, %convert_element_type3A_44, %cond3A_45 : i32
    scf.if %cond3A_46 {
      %get3A_47 = arith.constant 0 : index
      %get3A_48 = arith.constant 0 : index
      %get3A_49 = vector.load %arg8[%get3A_47, %get3A_48] : memref<512x128xf32, #tpu.memory_space<vmem>>, vector<512x128xf32>
      %swap3A_50 = arith.constant 0 : index
      %swap3A_51 = arith.constant 0 : index
      %swap3A_52 = vector.load %arg7[%swap3A_50, %swap3A_51] : memref<512x128xf32, #tpu.memory_space<vmem>>, vector<512x128xf32>
      tpu.vector_store %arg7[%swap3A_50, %swap3A_51], %get3A_49 {strides = array<i32>} : memref<512x128xf32, #tpu.memory_space<vmem>>, vector<512x128xf32>,
    } else {
    }
    return
  }
  func.func @transform_0(%arg0: i32) -> (i32, i32) {
    %c0_i32 = arith.constant 0 : i32
    %c0_i32_0 = arith.constant 0 : i32
    return %arg0, %c0_i32 : i32, i32
  }
  func.func @transform_1(%arg0: i32) -> (i32, i32, i32) {
    %c0_i32 = arith.constant 0 : i32
    %c0_i32_0 = arith.constant 0 : i32
    %c0_i32_1 = arith.constant 0 : i32
    return %arg0, %c0_i32, %c0_i32_0 : i32, i32, i32
  }
  func.func @transform_2(%arg0: i32) -> (i32, i32) {
    %c0_i32 = arith.constant 0 : i32
    %c0_i32_0 = arith.constant 0 : i32
    %c0_i32_1 = arith.constant 0 : i32
    return %c0_i32, %c0_i32_0 : i32, i32
  }
  func.func @transform_3(%arg0: i32) -> (i32, i32) {
    %c0_i32 = arith.constant 0 : i32
    %c0_i32_0 = arith.constant 0 : i32
    %c0_i32_1 = arith.constant 0 : i32
    return %c0_i32, %c0_i32_0 : i32, i32
  }
  func.func @transform_4(%arg0: i32) -> (i32, i32) {
    %c0_i32 = arith.constant 0 : i32
    %c0_i32_0 = arith.constant 0 : i32
    %c0_i32_1 = arith.constant 0 : i32
    return %c0_i32, %c0_i32_0 : i32, i32
  }
  func.func @transform_5(%arg0: i32) -> (i32, i32) {
    %c0_i32 = arith.constant 0 : i32
    %c0_i32_0 = arith.constant 0 : i32
    %c0_i32_1 = arith.constant 0 : i32
    return %c0_i32, %c0_i32_0 : i32, i32
  }
  func.func @transform_6(%arg0: i32) -> (i32, i32) {
    %c0_i32 = arith.constant 0 : i32
    %c0_i32_0 = arith.constant 0 : i32
    %c0_i32_1 = arith.constant 0 : i32
    return %c0_i32, %c0_i32_0 : i32, i32
  }
}

</mosaic_0001>

<sc_bundles>
// kernel: kernel.5.cloned.1.call-start
scs
__scs_entry_jumppad:
0x0: {  	(pc) =	sbr.rel $0x88, $3  }
0x1: {  	(tag) =	ssettag $0x0;
	lr =	simm.s32 $0x1  }
0x2: {  	[smem:$0x3F99] =	sst lr;
	_ =	strace $0xD0000000  }
0x3: {  	_ = 	snop  }
0x4: {  	_ = 	snop  }
0x5: {  	_ = 	snop  }
0x6: {  	_ = 	snop  }
0x7: {  	_ = 	snop  }
__scs_overlays_trampoline_lowered:
0x8: {  	[smem:$0x3FA8] =	sst s0  }
0x9: {  	[smem:$0x3FA9] =	sst s1  }
0xa: {  	[smem:$0x3FAA] =	sst s2  }
0xb: {  	[smem:$0x3FAB] =	sst s3  }
0xc: {  	[smem:$0x3FAC] =	sst s4  }
0xd: {  	[smem:$0x3FAD] =	sst s5  }
0xe: {  	[smem:$0x3FAE] =	sst s6  }
0xf: {  	[smem:$0x3FAF] =	sst s7  }
0x10: {  	[smem:$0x3FB0] =	sst s8  }
0x11: {  	[smem:$0x3FB1] =	sst s9;
	s0 =	simm.s32 @!p0 $0x0  }
0x12: {  	s1 =	sld [smem:$0x3F97];
	s0 =	simm.s32 @p0 $0x1  }
0x13: {  	[smem:$0x3FB2] =	sst s0;
	s0 =	simm.s32 @!p1 $0x0  }
0x14: {  	s2 =	sld [smem:$0x3F96];
	s0 =	simm.s32 @p1 $0x1  }
0x15: {  	[smem:$0x3FB3] =	sst s0;
	s0 =	simm.s32 @!p2 $0x0  }
0x16: {  	s3 =	sld [smem:$0x3FDB];
	s0 =	simm.s32 @p2 $0x1  }
0x17: {  	s4 =	simm.s32 $0x1BF5;
	[smem:$0x3FB5] =	sst s0  }
0x18: {  	s0 =	sld [smem:$0x3F98];
	_ =	swait.ge [sflag:s4], $0x0  }
0x19: {  	s7 =	sld [smem:$0x3F99]  }
0x1a: {  	s8 =	sadd.s32 $0xFFFFE003, lr  }
0x1b: {  	s9 =	sadd.s32 $0xFFFFFEF7, lr;
	s5 =	simm.s32 $0xFFFFFFFF;
	p2 =	slt.u32 s8, $0xFFFFF086  }
0x1c: {  	p1 =	slt.u32 s9, $0xF7A;
	s5 =	simm.s32 @!p2 $0x0  }
0x1d: {  	s5 =	simm.s32 @p1 $0x1;
	p0 =	seq.s32 s7, s2  }
0x1e: {  	s7 =	smul.u32 @!p0 $0xF7A, s2;
	p2 =	seq.s32 @!p0 s5, $0x0  }
0x1f: {  	s9 =	smul.u32 $0xF7A, s1;
	s8 =	simm.s32 @!p0 $0x1BF5;
	p2 =	por !p2, p0  }
0x20: {  	[sflag:s8] =	ssyncset.s32 @!p0 $0xFFFFF086;
	s6 =	sadd.s32 @!p0 s3, s7;
	s7 =	simm.s32 @!p0 $0x108  }
0x21: {  	s3 =	sadd.s32 s3, s9;
	s6 =	sadd.s32 @!p0 $0x88, s6;
	s7 =	simm.s32 @p2 $0x1082  }
0x22: {  	[simem:s7], [sflag:s8] =	dma.local @!p0 [hbm:s6], $0xF7A  }
0x23: {  	s9 =	sor.u32 $0xD0000000, s2;
	s6 =	simm.s32 $0x108;
	_ =	swait.ge @!p0 [sflag:s8], $0x0  }
0x24: {  	s3 =	sadd.s32 $0x88, s3;
	s6 =	simm.s32 @!p1 $0x1082;
	[sflag:s4] =	ssyncset.s32 $0xFFFFF086  }
0x25: {  	[simem:s6], [sflag:s4] =	dma.local [hbm:s3], $0xF7A  }
0x26: {  	[smem:$0x3F99] =	sst s1;
	(tag) =	ssettag s2;
	_ =	strace s9  }
0x27: {  	s1 =	sld [smem:$0x3FA9]  }
0x28: {  	s2 =	sld [smem:$0x3FAA]  }
0x29: {  	s4 =	sld [smem:$0x3FAC]  }
0x2a: {  	p0 =	seq.s32 s5, $0x0;
	s5 =	sld [smem:$0x3FAD]  }
0x2b: {  	s6 =	sld [smem:$0x3FAE]  }
0x2c: {  	s7 =	sld [smem:$0x3FAF]  }
0x2d: {  	s3 =	simm.s32 $0x108;
	s8 =	sld [smem:$0x3FB0]  }
0x2e: {  	s3 =	simm.s32 @!p0 $0x1082;
	s9 =	sld [smem:$0x3FB1]  }
0x2f: {  	lr =	sadd.s32 s0, s3;
	s0 =	sld [smem:$0x3FA8]  }
0x30: {  	s3 =	sld [smem:$0x3FAB]  }
0x31: {  	[smem:$0x3FB4] =	sst s10  }
0x32: {  	s10 =	sld [smem:$0x3FB2];
	_ =	sdelay $0x3  }
0x33: {  	p0 =	seq.s32 s10, $0x1;
	s10 =	sld [smem:$0x3FB4];
	_ =	sdelay $0x3  }
0x34: {  	[smem:$0x3FB4] =	sst s10  }
0x35: {  	s10 =	sld [smem:$0x3FB3];
	_ =	sdelay $0x3  }
0x36: {  	p1 =	seq.s32 s10, $0x1;
	s10 =	sld [smem:$0x3FB4];
	_ =	sdelay $0x3  }
0x37: {  	[smem:$0x3FB4] =	sst s10  }
0x38: {  	s10 =	sld [smem:$0x3FB5]  }
0x39: {  	_ = 	snop;
	(pc) =	sbr.ind lr, $3  }
0x3a: {  	_ = 	snop  }
0x3b: {  	_ = 	snop  }
0x3c: {  	p2 =	seq.s32 s10, $0x1;
	s10 =	sld [smem:$0x3FB4]  }
0x3d: {  	_ =	shalt  }
0x3e: {  	_ =	shalt  }
0x3f: {  	_ =	shalt  }
0x40: {  	_ =	shalt  }
0x41: {  	_ =	shalt  }
0x42: {  	_ =	shalt  }
0x43: {  	_ =	shalt  }
0x44: {  	_ =	shalt  }
0x45: {  	_ =	shalt  }
0x46: {  	_ =	shalt  }
0x47: {  	_ =	shalt  }
0x48: {  	_ =	shalt  }
0x49: {  	_ =	shalt  }
0x4a: {  	_ =	shalt  }
0x4b: {  	_ =	shalt  }
0x4c: {  	_ =	shalt  }
0x4d: {  	_ =	shalt  }
0x4e: {  	_ =	shalt  }
0x4f: {  	_ =	shalt  }
0x50: {  	_ =	shalt  }
0x51: {  	_ =	shalt  }
0x52: {  	_ =	shalt  }
0x53: {  	_ =	shalt  }
0x54: {  	_ =	shalt  }
0x55: {  	_ =	shalt  }
0x56: {  	_ =	shalt  }
0x57: {  	_ =	shalt  }
0x58: {  	_ =	shalt  }
0x59: {  	_ =	shalt  }
0x5a: {  	_ =	shalt  }
0x5b: {  	_ =	shalt  }
0x5c: {  	_ =	shalt  }
0x5d: {  	_ =	shalt  }
0x5e: {  	_ =	shalt  }
0x5f: {  	_ =	shalt  }
0x60: {  	_ =	shalt  }
0x61: {  	_ =	shalt  }
0x62: {  	_ =	shalt  }
0x63: {  	_ =	shalt  }
0x64: {  	_ =	shalt  }
0x65: {  	_ =	shalt  }
0x66: {  	_ =	shalt  }
0x67: {  	_ =	shalt  }
0x68: {  	_ =	shalt  }
0x69: {  	_ =	shalt  }
0x6a: {  	_ =	shalt  }
0x6b: {  	_ =	shalt  }
0x6c: {  	_ =	shalt  }
0x6d: {  	_ =	shalt  }
0x6e: {  	_ =	shalt  }
0x6f: {  	_ =	shalt  }
0x70: {  	_ =	shalt  }
0x71: {  	_ =	shalt  }
0x72: {  	_ =	shalt  }
0x73: {  	_ =	shalt  }
0x74: {  	_ =	shalt  }
0x75: {  	_ =	shalt  }
0x76: {  	_ =	shalt  }
0x77: {  	_ =	shalt  }
0x78: {  	_ =	shalt  }
0x79: {  	_ =	shalt  }
0x7a: {  	_ =	shalt  }
0x7b: {  	_ =	shalt  }
0x7c: {  	_ =	shalt  }
0x7d: {  	_ =	shalt  }
0x7e: {  	_ =	shalt  }
0x7f: {  	_ =	shalt  }
0x80: {  	_ =	shalt  }
0x81: {  	_ =	shalt  }
0x82: {  	_ =	shalt  }
0x83: {  	_ =	shalt  }
0x84: {  	_ =	shalt  }
0x85: {  	_ =	shalt  }
0x86: {  	_ =	shalt  }
0x87: {  	_ =	shalt  }
.Lfunc_end0:
.L_simem_size_0:
called_computation_lowered:
.L_overlay_start_0:
0x88: {  	s2 =	sld [smem:$0x3FD9]  }
0x89: {  	s3 =	sld [smem:$0x3FFE];
	_ =	sdelay $0x1  }
0x8a: {  	s1 =	srdreg.scid  }
0x8b: {  	s0 =	sand.u32 $0x1, s1  }
0x8c: {  	s17 =	sshll.u32 s0, $0xA;
	s2 =	sadd.s32 s3, s2  }
0x8d: {  	s2 =	sadd.s32 s2, s17  }
0x8e: {  	[smem:$0x3FC0] =	sst s2  }
0x8f: {  	_ = 	snop  }
0x90: {  	s2 =	sld [smem:$0x3FD0];
	(tm) =	ssettm $0x1  }
0x91: {  	s18 =	sld [smem:$0x3FFB];
	_ =	sdelay $0x3  }
0x92: {  	_ =	strace s18  }
0x93: {  	s3 =	sld [smem:$0x3FFC];
	_ =	sdelay $0x3  }
0x94: {  	_ =	strace s3  }
0x95: {  	s3 =	sld [smem:$0x3FFD];
	_ =	sdelay $0x3  }
0x96: {  	_ =	strace s3  }
0x97: {  	_ =	strace $0x8FFFFFFF  }
0x98: {  	s19 =	sld [smem:$0x3FDB];
	_ =	sdelay $0x1  }
0x99: {  	s4 =	simm.s32 $_scs_section_size  }
0x9a: {  	s5 =	simm.s32 $_size__tile_overlayer_lowered;
	s6 =	simm.s32 $_tile_overlayer_lowered  }
0x9b: {  	s22 =	simm.s32 $0x1BFF;
	s21 =	sshll.u32 s6, $0x1;
	s3 =	sadd.s32 s4, s19  }
0x9c: {  	s7 =	simm.s32 $0x0;
	s20 =	sshll.u32 s5, $0x1;
	s5 =	sadd.s32 s21, s3  }
0x9d: {  	[timem:s7], [sflag:s22] =	dma.local [hbm:s5], s20  }
0x9e: {  	_ =	swait.ge [sflag:s22], s20  }
0x9f: {  	s4 =	ssub.s32 $0x0, s20;
	[sflag:s22] =	ssyncset.done $0x0  }
0xa0: {  	[sflag:s22] =	ssyncadd.s32 s4;
	_ =	sdelay $0x1  }
0xa1: {  	s23 =	simm.s32 $0x1B8B  }
0xa2: {  	_ =	swait.ge [sflag:s23], $0x1  }
0xa3: {  	[sflag:s23] =	ssyncset.done $0x0  }
0xa4: {  	s25 =	simm.s32 $0x1B8E;
	s24 =	sld [smem:$0x3FFE];
	[sflag:s23] =	ssyncadd.s32 $0xFFFFFFFF  }
0xa5: {  	s26 =	simm.s32 $execute0_lowered;
	[smem:$0x3FD2] =	sst s25  }
0xa6: {  	s5 =	sshll.u32 s26, $0x1;
	_ =	strace $0x80000046;
	[dreg:$0x1] =	wrdreg $0xFFFFFFFF  }
0xa7: {  	s28 =	simm.s32 $_size_execute0_lowered;
	s3 =	sadd.s32 s3, s5;
	[dreg:$0x0] =	wrdreg $0x0  }
0xa8: {  	s5 =	sshll.u32 s28, $0x1;
	[dreg:$0x2] =	wrdreg s3  }
0xa9: {  	[dreg:$0x3] =	wrdreg s5  }
0xaa: {  	[dreg:$0x4] =	wrdreg $0xC0  }
0xab: {  	_ =	task [dreg:s7], $0x5FFFF  }
0xac: {  	[dreg:$0x1] =	wrdreg $0xFFFFFFFF  }
0xad: {  	[dreg:$0x0] =	wrdreg $0x60  }
0xae: {  	[dreg:$0x2] =	wrdreg s24  }
0xaf: {  	[dreg:$0x3] =	wrdreg s2  }
0xb0: {  	[dreg:$0x4] =	wrdreg $0x41000  }
0xb1: {  	[dreg:$0x5] =	wrdreg $0x9  }
0xb2: {  	_ =	task.clear_ibuf [dreg:s7], $0x6FFFF;
	_ =	strace $0x90000046  }
0xb3: {  	s29 =	simm.s32 $0x9;
	_ =	strace $0x80000048  }
0xb4: {  	_ =	swait.ge [sflag:s29], $0x1  }
0xb5: {  	[sflag:s29] =	ssyncadd.s32 $0xFFFFFFFF  }
0xb6: {  	_ =	strace $0x90000048  }
0xb7: {  	_ =	sfence  }
0xb8: {  	s30 =	sld [smem:$0x0];
	_ =	sdelay $0x2  }
0xb9: {  	s31 =	sshll.u32 s1, $0xD;
	s1 =	sshrl.u32 s1, $0x2  }
0xba: {  	s3 =	sand.u32 $0x4000, s31;
	s1 =	sadd.s32 s1, s30  }
0xbb: {  	s0 =	sor.u32 s3, s0;
	s1 =	sshll.u32 s1, $0x11  }
0xbc: {  	s0 =	sor.u32 s1, s0  }
0xbd: {  	s0 =	sadd.s32 $0x8F2B, s0  }
0xbe: {  	[sflag:s0] =	ssyncadd.remote.s32 $0x1  }
0xbf: {  	_ =	sfence.sel $0xFFFF  }
0xc0: {  	[dreg:$0x0] =	wrdreg $0xFFFFFFFF;
	(pc) =	sbr.abs _section_cstart, $3  }
0xc1: {  	[dreg:$0x1] =	wrdreg $0xFFFFFFFF  }
0xc2: {  	_ =	task.clear_ibuf [dreg:s7], $0x2FFFF;
	_ =	strace $0x9FFFFFFF  }
0xc3: {  	(tm) =	ssettm $0x7FFFFFFF  }
tec
execute0_lowered:
.L_overlay_start_1:
0x0: {  	(tag) =	ssettag $0x1  }
0x1: {  	s0 =	rddreg [dreg:$0x0];
	s1 =	srdreg.scid  }
0x2: {  	s4 =	stileid.u32;
	s2 =	rddreg [dreg:$0x1];
	p1 =	por $0x0, $0x0  }
0x3: {  	s9 =	simm.s32 $0x80;
	s11 =	simm.s32 $0x2;
	[dreg:$0x5] =	wrdreg s2  }
0x4: {  	s3 =	sand.u32 $0x1, s1;
	s18 =	sshll.u32 s4, $0x1;
	s1 =	rddreg [dreg:$0x2]  }
0x5: {  	s2 =	simm.s32 $0x0;
	s6 =	sadd.s32 $0x4400, s0;
	p0 =	sne.s32 s4, $0x0  }
0x6: {  	s4 =	simm.s32 $0x3;
	s19 =	sor.u32 s3, s18;
	s7 =	smul.u32 $0x2100, s3  }
0x7: {  	[smem:$0x7FF] =	sst s2;
	s3 =	ssub.s32 $0x2, s3;
	s5 =	smul.u32 $0xC80, s19  }
0x8: {  	_ =	strace $0x80000047;
	[dreg:$0x4] =	wrdreg s6;
	s26 =	sshrl.u32 s3, $0x1  }
0x9: {  	s6 =	simm.s32 $0x1;
	s8 =	ssub.s32 s3, s26;
	s5 =	sshrl.u32 s5, $0x3  }
0xa: {  	s30 =	smax.u32 s8, $0x1;
	s8 =	sshrl.u32 @!p0 s1, $0x3;
	s5 =	sadd.s32 s5, s0  }
0xb: {  	s0 =	sadd.s32 s7, s0;
	s31 =	sadd.s32 $0xFFFFFFFF, s30;
	s20 =	sadd.s32 $0x1200, s5  }
0xc: {  	s21 =	sadd.s32 $0x1210, s5;
	s22 =	sadd.s32 $0x1220, s5;
	s23 =	sadd.s32 $0x1230, s5  }
0xd: {  	s24 =	sadd.s32 $0x1240, s5;
	s25 =	sadd.s32 $0x1250, s5;
	s29 =	sadd.s32 $0x1260, s5  }
0xe: {  	s28 =	sadd.s32 $0x1270, s5;
	s3 =	sadd.s32 $0x6600, s0;
	s0 =	rddreg [dreg:$0x5]  }
0xf: {  	s26 =	sadd.s32 $0x1280, s5;
	s19 =	sadd.s32 $0x12F0, s5;
	[dreg:$0x6] =	wrdreg s20  }
0x10: {  	s18 =	sadd.s32 $0x1300, s5;
	s17 =	sadd.s32 $0x1310, s5;
	[dreg:$0x7] =	wrdreg s21  }
0x11: {  	s16 =	sadd.s32 $0x1320, s5;
	s15 =	sadd.s32 $0x1330, s5;
	[dreg:$0x8] =	wrdreg s22  }
0x12: {  	s14 =	sadd.s32 $0x1340, s5;
	p2 =	sne.s32 s31, $0x0;
	[dreg:$0x9] =	wrdreg s23  }
.Ltmp0:
0x13: {  	s13 =	sadd.s32 $0x1350, s5;
	[dreg:$0xa] =	wrdreg s24;
	(pc) =	sbr.rel @!p2 .LBB2_1-.Ltmp0, $4  }
0x14: {  	s12 =	sadd.s32 $0x1360, s5;
	s10 =	sadd.s32 $0x1370, s5;
	[dreg:$0xb] =	wrdreg s25  }
0x15: {  	s7 =	sadd.s32 $0x1380, s5;
	[dreg:$0xc] =	wrdreg s29;
	s25 =	sadd.s32 $0x1290, s5  }
0x16: {  	s24 =	sadd.s32 $0x12A0, s5;
	s23 =	sadd.s32 $0x12B0, s5;
	s22 =	sadd.s32 $0x12C0, s5  }
0x17: {  	s21 =	sadd.s32 $0x12D0, s5;
	s20 =	sadd.s32 $0x12E0, s5;
	s5 =	simm.s32 $0x100  }
0x18: {  	[tilespmem:s5], [sflag:$0x3] =	stream.linear.gather [hbm4b:s0+s2], $0x4000, $0x38;
	[tilespmem:$0x5180] =	vst v63  }
0x19: {  	_ =	swait.ge [sflag:s4], $0x4000  }
0x1a: {  	s30 =	simm.s32 @!p0 $0x1C03;
	[sflag:s4] =	ssyncset.done $0x0  }
0x1b: {  	s29 =	simm.s32 @!p0 $0x3;
	s0 =	rddreg [dreg:$0x4];
	[sflag:s4] =	ssyncadd.s32 $0xFFFFC000  }
0x1c: {  	[spmem:s8], [sflag:s30] =	dma.local @!p0 [hbm:s0], $0x2100  }
0x1d: {  	_ =	swait.ge @!p0 [sflag:s29], $0x2100  }
0x1e: {  	[sflag:s29] =	ssyncset.done @!p0 $0x0  }
0x1f: {  	[sflag:s29] =	ssyncadd.s32 @!p0 $0xFFFFDF00  }
0x20: {  	[bflag:$0x0] =	sbarrier.arrive $0xFFFF  }
0x21: {  	s0 =	rddreg [dreg:$0x6]  }
0x22: {  	[tilespmem:s2], [sflag:$0x1] =	stream.linear.gather [hbm4b:s0+s2], $0x80, $0x38;
	[tilespmem:$0x5180] =	vst v63  }
0x23: {  	_ =	swait.ge [sflag:s6], $0x80  }
0x24: {  	[sflag:s6] =	ssyncset.done $0x0  }
0x25: {  	s0 =	rddreg [dreg:$0x7];
	[sflag:s6] =	ssyncadd.s32 $0xFFFFFF80  }
0x26: {  	[tilespmem:s9], [sflag:$0x2] =	stream.linear.gather [hbm4b:s0+s2], $0x80, $0x38;
	[tilespmem:$0x5180] =	vst v63  }
0x27: {  	_ = 	snop  }
0x28: {  	[spmem:s1] =	stream.indirect.scatter.add.f32 [tilespmem:s5], [sflag:$0x3], $0x80, s2, s9, $0xb8;
	[tilespmem:$0x5180] =	vst v63  }
0x29: {  	_ =	swait.ge [sflag:s4], $0x4000  }
0x2a: {  	[sflag:s4] =	ssyncset.done $0x0  }
0x2b: {  	[sflag:s4] =	ssyncadd.s32 $0xFFFFC000  }
0x2c: {  	_ =	swait.ge [sflag:s11], $0x80  }
0x2d: {  	[sflag:s11] =	ssyncset.done $0x0  }
0x2e: {  	s0 =	rddreg [dreg:$0x8];
	[sflag:s11] =	ssyncadd.s32 $0xFFFFFF80  }
0x2f: {  	[tilespmem:s2], [sflag:$0x1] =	stream.linear.gather [hbm4b:s0+s2], $0x80, $0x38;
	[tilespmem:$0x5180] =	vst v63  }
0x30: {  	_ = 	snop  }
0x31: {  	[spmem:s1] =	stream.indirect.scatter.add.f32 [tilespmem:s5], [sflag:$0x3], $0x80, s9, s9, $0xb8;
	[tilespmem:$0x5180] =	vst v63  }
0x32: {  	_ =	swait.ge [sflag:s4], $0x4000  }
0x33: {  	[sflag:s4] =	ssyncset.done $0x0  }
0x34: {  	[sflag:s4] =	ssyncadd.s32 $0xFFFFC000  }
0x35: {  	_ =	swait.ge [sflag:s6], $0x80  }
0x36: {  	[sflag:s6] =	ssyncset.done $0x0  }
0x37: {  	s0 =	rddreg [dreg:$0x9];
	[sflag:s6] =	ssyncadd.s32 $0xFFFFFF80  }
0x38: {  	[tilespmem:s9], [sflag:$0x2] =	stream.linear.gather [hbm4b:s0+s2], $0x80, $0x38;
	[tilespmem:$0x5180] =	vst v63  }
0x39: {  	_ = 	snop  }
0x3a: {  	[spmem:s1] =	stream.indirect.scatter.add.f32 [tilespmem:s5], [sflag:$0x3], $0x80, s2, s9, $0xb8;
	[tilespmem:$0x5180] =	vst v63  }
0x3b: {  	_ =	swait.ge [sflag:s4], $0x4000  }
0x3c: {  	[sflag:s4] =	ssyncset.done $0x0  }
0x3d: {  	[sflag:s4] =	ssyncadd.s32 $0xFFFFC000  }
0x3e: {  	_ =	swait.ge [sflag:s11], $0x80  }
0x3f: {  	[sflag:s11] =	ssyncset.done $0x0  }
0x40: {  	s0 =	rddreg [dreg:$0xa];
	[sflag:s11] =	ssyncadd.s32 $0xFFFFFF80  }
0x41: {  	[tilespmem:s2], [sflag:$0x1] =	stream.linear.gather [hbm4b:s0+s2], $0x80, $0x38;
	[tilespmem:$0x5180] =	vst v63  }
0x42: {  	_ = 	snop  }
0x43: {  	[spmem:s1] =	stream.indirect.scatter.add.f32 [tilespmem:s5], [sflag:$0x3], $0x80, s9, s9, $0xb8;
	[tilespmem:$0x5180] =	vst v63  }
0x44: {  	_ =	swait.ge [sflag:s4], $0x4000  }
0x45: {  	[sflag:s4] =	ssyncset.done $0x0  }
0x46: {  	[sflag:s4] =	ssyncadd.s32 $0xFFFFC000  }
0x47: {  	_ =	swait.ge [sflag:s6], $0x80  }
0x48: {  	[sflag:s6] =	ssyncset.done $0x0  }
0x49: {  	s0 =	rddreg [dreg:$0xb];
	[sflag:s6] =	ssyncadd.s32 $0xFFFFFF80  }
0x4a: {  	[tilespmem:s9], [sflag:$0x2] =	stream.linear.gather [hbm4b:s0+s2], $0x80, $0x38;
	[tilespmem:$0x5180] =	vst v63  }
0x4b: {  	_ = 	snop  }
0x4c: {  	[spmem:s1] =	stream.indirect.scatter.add.f32 [tilespmem:s5], [sflag:$0x3], $0x80, s2, s9, $0xb8;
	[tilespmem:$0x5180] =	vst v63  }
0x4d: {  	_ =	swait.ge [sflag:s4], $0x4000  }
0x4e: {  	[sflag:s4] =	ssyncset.done $0x0  }
0x4f: {  	[sflag:s4] =	ssyncadd.s32 $0xFFFFC000  }
0x50: {  	_ =	swait.ge [sflag:s11], $0x80  }
0x51: {  	[sflag:s11] =	ssyncset.done $0x0  }
0x52: {  	s0 =	rddreg [dreg:$0xc];
	[sflag:s11] =	ssyncadd.s32 $0xFFFFFF80  }
0x53: {  	[tilespmem:s2], [sflag:$0x1] =	stream.linear.gather [hbm4b:s0+s2], $0x80, $0x38;
	[tilespmem:$0x5180] =	vst v63  }
0x54: {  	_ = 	snop  }
0x55: {  	[spmem:s1] =	stream.indirect.scatter.add.f32 [tilespmem:s5], [sflag:$0x3], $0x80, s9, s9, $0xb8;
	[tilespmem:$0x5180] =	vst v63  }
0x56: {  	_ =	swait.ge [sflag:s4], $0x4000  }
0x57: {  	[sflag:s4] =	ssyncset.done $0x0  }
0x58: {  	[sflag:s4] =	ssyncadd.s32 $0xFFFFC000  }
0x59: {  	_ =	swait.ge [sflag:s6], $0x80  }
0x5a: {  	[sflag:s6] =	ssyncset.done $0x0  }
0x5b: {  	[sflag:s6] =	ssyncadd.s32 $0xFFFFFF80  }
0x5c: {  	[tilespmem:s9], [sflag:$0x2] =	stream.linear.gather [hbm4b:s28+s2], $0x80, $0x38;
	[tilespmem:$0x5180] =	vst v63  }
0x5d: {  	_ = 	snop  }
0x5e: {  	[spmem:s1] =	stream.indirect.scatter.add.f32 [tilespmem:s5], [sflag:$0x3], $0x80, s2, s9, $0xb8;
	[tilespmem:$0x5180] =	vst v63  }
0x5f: {  	_ =	swait.ge [sflag:s4], $0x4000  }
0x60: {  	[sflag:s4] =	ssyncset.done $0x0  }
0x61: {  	[sflag:s4] =	ssyncadd.s32 $0xFFFFC000  }
0x62: {  	_ =	swait.ge [sflag:s11], $0x80  }
0x63: {  	[sflag:s11] =	ssyncset.done $0x0  }
0x64: {  	[sflag:s11] =	ssyncadd.s32 $0xFFFFFF80  }
0x65: {  	[tilespmem:s2], [sflag:$0x1] =	stream.linear.gather [hbm4b:s26+s2], $0x80, $0x38;
	[tilespmem:$0x5180] =	vst v63  }
0x66: {  	_ = 	snop  }
0x67: {  	[spmem:s1] =	stream.indirect.scatter.add.f32 [tilespmem:s5], [sflag:$0x3], $0x80, s9, s9, $0xb8;
	[tilespmem:$0x5180] =	vst v63  }
0x68: {  	_ =	swait.ge [sflag:s4], $0x4000  }
0x69: {  	[sflag:s4] =	ssyncset.done $0x0  }
0x6a: {  	[sflag:s4] =	ssyncadd.s32 $0xFFFFC000  }
0x6b: {  	_ =	swait.ge [sflag:s6], $0x80  }
0x6c: {  	[sflag:s6] =	ssyncset.done $0x0  }
0x6d: {  	[sflag:s6] =	ssyncadd.s32 $0xFFFFFF80  }
0x6e: {  	[tilespmem:s9], [sflag:$0x2] =	stream.linear.gather [hbm4b:s25+s2], $0x80, $0x38;
	[tilespmem:$0x5180] =	vst v63  }
0x6f: {  	_ = 	snop  }
0x70: {  	[spmem:s1] =	stream.indirect.scatter.add.f32 [tilespmem:s5], [sflag:$0x3], $0x80, s2, s9, $0xb8;
	[tilespmem:$0x5180] =	vst v63  }
0x71: {  	_ =	swait.ge [sflag:s4], $0x4000  }
0x72: {  	[sflag:s4] =	ssyncset.done $0x0  }
0x73: {  	[sflag:s4] =	ssyncadd.s32 $0xFFFFC000  }
0x74: {  	_ =	swait.ge [sflag:s11], $0x80  }
0x75: {  	[sflag:s11] =	ssyncset.done $0x0  }
0x76: {  	[sflag:s11] =	ssyncadd.s32 $0xFFFFFF80  }
0x77: {  	[tilespmem:s2], [sflag:$0x1] =	stream.linear.gather [hbm4b:s24+s2], $0x80, $0x38;
	[tilespmem:$0x5180] =	vst v63  }
0x78: {  	_ = 	snop  }
0x79: {  	[spmem:s1] =	stream.indirect.scatter.add.f32 [tilespmem:s5], [sflag:$0x3], $0x80, s9, s9, $0xb8;
	[tilespmem:$0x5180] =	vst v63  }
0x7a: {  	_ =	swait.ge [sflag:s4], $0x4000  }
0x7b: {  	[sflag:s4] =	ssyncset.done $0x0  }
0x7c: {  	[sflag:s4] =	ssyncadd.s32 $0xFFFFC000  }
0x7d: {  	_ =	swait.ge [sflag:s6], $0x80  }
0x7e: {  	[sflag:s6] =	ssyncset.done $0x0  }
0x7f: {  	[sflag:s6] =	ssyncadd.s32 $0xFFFFFF80  }
0x80: {  	[tilespmem:s9], [sflag:$0x2] =	stream.linear.gather [hbm4b:s23+s2], $0x80, $0x38;
	[tilespmem:$0x5180] =	vst v63  }
0x81: {  	_ = 	snop  }
0x82: {  	[spmem:s1] =	stream.indirect.scatter.add.f32 [tilespmem:s5], [sflag:$0x3], $0x80, s2, s9, $0xb8;
	[tilespmem:$0x5180] =	vst v63  }
0x83: {  	_ =	swait.ge [sflag:s4], $0x4000  }
0x84: {  	[sflag:s4] =	ssyncset.done $0x0  }
0x85: {  	[sflag:s4] =	ssyncadd.s32 $0xFFFFC000  }
0x86: {  	_ =	swait.ge [sflag:s11], $0x80  }
0x87: {  	[sflag:s11] =	ssyncset.done $0x0  }
0x88: {  	[sflag:s11] =	ssyncadd.s32 $0xFFFFFF80  }
0x89: {  	[tilespmem:s2], [sflag:$0x1] =	stream.linear.gather [hbm4b:s22+s2], $0x80, $0x38;
	[tilespmem:$0x5180] =	vst v63  }
0x8a: {  	_ = 	snop  }
0x8b: {  	[spmem:s1] =	stream.indirect.scatter.add.f32 [tilespmem:s5], [sflag:$0x3], $0x80, s9, s9, $0xb8;
	[tilespmem:$0x5180] =	vst v63  }
0x8c: {  	_ =	swait.ge [sflag:s4], $0x4000  }
0x8d: {  	[sflag:s4] =	ssyncset.done $0x0  }
0x8e: {  	[sflag:s4] =	ssyncadd.s32 $0xFFFFC000  }
0x8f: {  	_ =	swait.ge [sflag:s6], $0x80  }
0x90: {  	[sflag:s6] =	ssyncset.done $0x0  }
0x91: {  	[sflag:s6] =	ssyncadd.s32 $0xFFFFFF80  }
0x92: {  	[tilespmem:s9], [sflag:$0x2] =	stream.linear.gather [hbm4b:s21+s2], $0x80, $0x38;
	[tilespmem:$0x5180] =	vst v63  }
0x93: {  	_ = 	snop  }
0x94: {  	[spmem:s1] =	stream.indirect.scatter.add.f32 [tilespmem:s5], [sflag:$0x3], $0x80, s2, s9, $0xb8;
	[tilespmem:$0x5180] =	vst v63  }
0x95: {  	_ =	swait.ge [sflag:s4], $0x4000  }
0x96: {  	[sflag:s4] =	ssyncset.done $0x0  }
0x97: {  	[sflag:s4] =	ssyncadd.s32 $0xFFFFC000  }
0x98: {  	_ =	swait.ge [sflag:s11], $0x80  }
0x99: {  	[sflag:s11] =	ssyncset.done $0x0  }
0x9a: {  	[sflag:s11] =	ssyncadd.s32 $0xFFFFFF80  }
0x9b: {  	[tilespmem:s2], [sflag:$0x1] =	stream.linear.gather [hbm4b:s20+s2], $0x80, $0x38;
	[tilespmem:$0x5180] =	vst v63  }
0x9c: {  	_ = 	snop  }
0x9d: {  	[spmem:s1] =	stream.indirect.scatter.add.f32 [tilespmem:s5], [sflag:$0x3], $0x80, s9, s9, $0xb8;
	[tilespmem:$0x5180] =	vst v63  }
0x9e: {  	_ =	swait.ge [sflag:s4], $0x4000  }
0x9f: {  	[sflag:s4] =	ssyncset.done $0x0  }
0xa0: {  	[sflag:s4] =	ssyncadd.s32 $0xFFFFC000  }
0xa1: {  	_ =	swait.ge [sflag:s6], $0x80  }
0xa2: {  	[sflag:s6] =	ssyncset.done $0x0  }
0xa3: {  	[sflag:s6] =	ssyncadd.s32 $0xFFFFFF80  }
0xa4: {  	[tilespmem:s9], [sflag:$0x2] =	stream.linear.gather [hbm4b:s19+s2], $0x80, $0x38;
	[tilespmem:$0x5180] =	vst v63  }
0xa5: {  	_ = 	snop  }
0xa6: {  	[spmem:s1] =	stream.indirect.scatter.add.f32 [tilespmem:s5], [sflag:$0x3], $0x80, s2, s9, $0xb8;
	[tilespmem:$0x5180] =	vst v63  }
0xa7: {  	_ =	swait.ge [sflag:s4], $0x4000  }
0xa8: {  	[sflag:s4] =	ssyncset.done $0x0  }
0xa9: {  	[sflag:s4] =	ssyncadd.s32 $0xFFFFC000  }
0xaa: {  	_ =	swait.ge [sflag:s11], $0x80  }
0xab: {  	[sflag:s11] =	ssyncset.done $0x0  }
0xac: {  	[sflag:s11] =	ssyncadd.s32 $0xFFFFFF80  }
0xad: {  	[tilespmem:s2], [sflag:$0x1] =	stream.linear.gather [hbm4b:s18+s2], $0x80, $0x38;
	[tilespmem:$0x5180] =	vst v63  }
0xae: {  	_ = 	snop  }
0xaf: {  	[spmem:s1] =	stream.indirect.scatter.add.f32 [tilespmem:s5], [sflag:$0x3], $0x80, s9, s9, $0xb8;
	[tilespmem:$0x5180] =	vst v63  }
0xb0: {  	_ =	swait.ge [sflag:s4], $0x4000  }
0xb1: {  	[sflag:s4] =	ssyncset.done $0x0  }
0xb2: {  	[sflag:s4] =	ssyncadd.s32 $0xFFFFC000  }
0xb3: {  	_ =	swait.ge [sflag:s6], $0x80  }
0xb4: {  	[sflag:s6] =	ssyncset.done $0x0  }
0xb5: {  	[sflag:s6] =	ssyncadd.s32 $0xFFFFFF80  }
0xb6: {  	[tilespmem:s9], [sflag:$0x2] =	stream.linear.gather [hbm4b:s17+s2], $0x80, $0x38;
	[tilespmem:$0x5180] =	vst v63  }
0xb7: {  	_ = 	snop  }
0xb8: {  	[spmem:s1] =	stream.indirect.scatter.add.f32 [tilespmem:s5], [sflag:$0x3], $0x80, s2, s9, $0xb8;
	[tilespmem:$0x5180] =	vst v63  }
0xb9: {  	_ =	swait.ge [sflag:s4], $0x4000  }
0xba: {  	[sflag:s4] =	ssyncset.done $0x0  }
0xbb: {  	[sflag:s4] =	ssyncadd.s32 $0xFFFFC000  }
0xbc: {  	_ =	swait.ge [sflag:s11], $0x80  }
0xbd: {  	[sflag:s11] =	ssyncset.done $0x0  }
0xbe: {  	[sflag:s11] =	ssyncadd.s32 $0xFFFFFF80  }
0xbf: {  	[tilespmem:s2], [sflag:$0x1] =	stream.linear.gather [hbm4b:s16+s2], $0x80, $0x38;
	[tilespmem:$0x5180] =	vst v63  }
0xc0: {  	_ = 	snop  }
0xc1: {  	[spmem:s1] =	stream.indirect.scatter.add.f32 [tilespmem:s5], [sflag:$0x3], $0x80, s9, s9, $0xb8;
	[tilespmem:$0x5180] =	vst v63  }
0xc2: {  	_ =	swait.ge [sflag:s4], $0x4000  }
0xc3: {  	[sflag:s4] =	ssyncset.done $0x0  }
0xc4: {  	[sflag:s4] =	ssyncadd.s32 $0xFFFFC000  }
0xc5: {  	_ =	swait.ge [sflag:s6], $0x80  }
0xc6: {  	[sflag:s6] =	ssyncset.done $0x0  }
0xc7: {  	[sflag:s6] =	ssyncadd.s32 $0xFFFFFF80  }
0xc8: {  	[tilespmem:s9], [sflag:$0x2] =	stream.linear.gather [hbm4b:s15+s2], $0x80, $0x38;
	[tilespmem:$0x5180] =	vst v63  }
0xc9: {  	_ = 	snop  }
0xca: {  	[spmem:s1] =	stream.indirect.scatter.add.f32 [tilespmem:s5], [sflag:$0x3], $0x80, s2, s9, $0xb8;
	[tilespmem:$0x5180] =	vst v63  }
0xcb: {  	_ =	swait.ge [sflag:s4], $0x4000  }
0xcc: {  	[sflag:s4] =	ssyncset.done $0x0  }
0xcd: {  	[sflag:s4] =	ssyncadd.s32 $0xFFFFC000  }
0xce: {  	_ =	swait.ge [sflag:s11], $0x80  }
0xcf: {  	[sflag:s11] =	ssyncset.done $0x0  }
0xd0: {  	[sflag:s11] =	ssyncadd.s32 $0xFFFFFF80  }
0xd1: {  	[tilespmem:s2], [sflag:$0x1] =	stream.linear.gather [hbm4b:s14+s2], $0x80, $0x38;
	[tilespmem:$0x5180] =	vst v63  }
0xd2: {  	_ = 	snop  }
0xd3: {  	[spmem:s1] =	stream.indirect.scatter.add.f32 [tilespmem:s5], [sflag:$0x3], $0x80, s9, s9, $0xb8;
	[tilespmem:$0x5180] =	vst v63  }
0xd4: {  	_ =	swait.ge [sflag:s4], $0x4000  }
0xd5: {  	[sflag:s4] =	ssyncset.done $0x0  }
0xd6: {  	[sflag:s4] =	ssyncadd.s32 $0xFFFFC000  }
0xd7: {  	_ =	swait.ge [sflag:s6], $0x80  }
0xd8: {  	[sflag:s6] =	ssyncset.done $0x0  }
0xd9: {  	[sflag:s6] =	ssyncadd.s32 $0xFFFFFF80  }
0xda: {  	[tilespmem:s9], [sflag:$0x2] =	stream.linear.gather [hbm4b:s13+s2], $0x80, $0x38;
	[tilespmem:$0x5180] =	vst v63  }
0xdb: {  	_ = 	snop  }
0xdc: {  	[spmem:s1] =	stream.indirect.scatter.add.f32 [tilespmem:s5], [sflag:$0x3], $0x80, s2, s9, $0xb8;
	[tilespmem:$0x5180] =	vst v63  }
0xdd: {  	_ =	swait.ge [sflag:s4], $0x4000  }
0xde: {  	[sflag:s4] =	ssyncset.done $0x0  }
0xdf: {  	[sflag:s4] =	ssyncadd.s32 $0xFFFFC000  }
0xe0: {  	_ =	swait.ge [sflag:s11], $0x80  }
0xe1: {  	[sflag:s11] =	ssyncset.done $0x0  }
0xe2: {  	[sflag:s11] =	ssyncadd.s32 $0xFFFFFF80  }
0xe3: {  	[tilespmem:s2], [sflag:$0x1] =	stream.linear.gather [hbm4b:s12+s2], $0x80, $0x38;
	[tilespmem:$0x5180] =	vst v63  }
0xe4: {  	_ = 	snop  }
0xe5: {  	[spmem:s1] =	stream.indirect.scatter.add.f32 [tilespmem:s5], [sflag:$0x3], $0x80, s9, s9, $0xb8;
	[tilespmem:$0x5180] =	vst v63  }
0xe6: {  	_ =	swait.ge [sflag:s4], $0x4000  }
0xe7: {  	[sflag:s4] =	ssyncset.done $0x0  }
0xe8: {  	[sflag:s4] =	ssyncadd.s32 $0xFFFFC000  }
0xe9: {  	_ =	swait.ge [sflag:s6], $0x80  }
0xea: {  	[sflag:s6] =	ssyncset.done $0x0  }
0xeb: {  	[sflag:s6] =	ssyncadd.s32 $0xFFFFFF80  }
0xec: {  	[tilespmem:s9], [sflag:$0x2] =	stream.linear.gather [hbm4b:s10+s2], $0x80, $0x38;
	[tilespmem:$0x5180] =	vst v63  }
0xed: {  	_ = 	snop  }
0xee: {  	[spmem:s1] =	stream.indirect.scatter.add.f32 [tilespmem:s5], [sflag:$0x3], $0x80, s2, s9, $0xb8;
	[tilespmem:$0x5180] =	vst v63  }
0xef: {  	_ =	swait.ge [sflag:s4], $0x4000  }
0xf0: {  	[sflag:s4] =	ssyncset.done $0x0  }
0xf1: {  	[sflag:s4] =	ssyncadd.s32 $0xFFFFC000  }
0xf2: {  	_ =	swait.ge [sflag:s11], $0x80  }
0xf3: {  	[sflag:s11] =	ssyncset.done $0x0  }
0xf4: {  	[sflag:s11] =	ssyncadd.s32 $0xFFFFFF80  }
0xf5: {  	[tilespmem:s2], [sflag:$0x1] =	stream.linear.gather [hbm4b:s7+s2], $0x80, $0x38;
	[tilespmem:$0x5180] =	vst v63  }
0xf6: {  	_ = 	snop  }
0xf7: {  	[spmem:s1] =	stream.indirect.scatter.add.f32 [tilespmem:s5], [sflag:$0x3], $0x80, s9, s9, $0xb8;
	[tilespmem:$0x5180] =	vst v63  }
0xf8: {  	_ =	swait.ge [sflag:s4], $0x4000  }
0xf9: {  	[sflag:s4] =	ssyncset.done $0x0  }
0xfa: {  	[sflag:s4] =	ssyncadd.s32 $0xFFFFC000  }
0xfb: {  	_ =	swait.ge [sflag:s6], $0x80  }
0xfc: {  	[sflag:s6] =	ssyncset.done $0x0  }
0xfd: {  	[sflag:s6] =	ssyncadd.s32 $0xFFFFFF80  }
0xfe: {  	[spmem:s1] =	stream.indirect.scatter.add.f32 [tilespmem:s5], [sflag:$0x3], $0x80, s2, s9, $0xb8;
	[tilespmem:$0x5180] =	vst v63  }
0xff: {  	s31 =	sadd.s32 $0xFFFFFFFF, s31;
	_ =	swait.ge [sflag:s4], $0x4000  }
0x100: {  	p2 =	sne.s32 s31, $0x0;
	[sflag:s4] =	ssyncset.done $0x0  }
.Ltmp1:
0x101: {  	[sflag:s4] =	ssyncadd.s32 $0xFFFFC000;
	(pc) =	sbr.rel @!p2 .LBB2_4-.Ltmp1, $4  }
0x102: {  	[bflag:$0x0] =	sbarrier.arrive $0xFFFF  }
0x103: {  	[hbm:s3], [sflag:s30] =	dma.local @!p0 [spmem:s8], $0x2100  }
0x104: {  	_ =	swait.ge @!p0 [sflag:s29], $0x2100  }
0x105: {  	p1 =	por $0x1, $0x1;
	s0 =	rddreg [dreg:$0x5];
	[sflag:s29] =	ssyncset.done @!p0 $0x0  }
.LBB2_3:
0x106: {  	[sflag:s29] =	ssyncadd.s32 @!p0 $0xFFFFDF00  }
0x107: {  	[tilespmem:s5], [sflag:$0x3] =	stream.linear.gather [hbm4b:s0+s2], $0x4000, $0x38;
	[tilespmem:$0x5180] =	vst v63  }
0x108: {  	_ =	swait.ge [sflag:s4], $0x4000  }
0x109: {  	[sflag:s4] =	ssyncset.done $0x0  }
0x10a: {  	s0 =	rddreg [dreg:$0x4];
	[sflag:s4] =	ssyncadd.s32 $0xFFFFC000  }
0x10b: {  	[spmem:s8], [sflag:s30] =	dma.local @!p0 [hbm:s0], $0x2100  }
0x10c: {  	_ =	swait.ge @!p0 [sflag:s29], $0x2100  }
0x10d: {  	[sflag:s29] =	ssyncset.done @!p0 $0x0  }
0x10e: {  	[sflag:s29] =	ssyncadd.s32 @!p0 $0xFFFFDF00  }
0x10f: {  	[bflag:$0x0] =	sbarrier.arrive $0xFFFF  }
0x110: {  	s0 =	rddreg [dreg:$0x6]  }
0x111: {  	[tilespmem:s2], [sflag:$0x1] =	stream.linear.gather [hbm4b:s0+s2], $0x80, $0x38;
	[tilespmem:$0x5180] =	vst v63  }
0x112: {  	_ =	swait.ge [sflag:s6], $0x80  }
0x113: {  	[sflag:s6] =	ssyncset.done $0x0  }
0x114: {  	s0 =	rddreg [dreg:$0x7];
	[sflag:s6] =	ssyncadd.s32 $0xFFFFFF80  }
0x115: {  	[tilespmem:s9], [sflag:$0x2] =	stream.linear.gather [hbm4b:s0+s2], $0x80, $0x38;
	[tilespmem:$0x5180] =	vst v63  }
0x116: {  	_ = 	snop  }
0x117: {  	[spmem:s1] =	stream.indirect.scatter.add.f32 [tilespmem:s5], [sflag:$0x3], $0x80, s2, s9, $0xb8;
	[tilespmem:$0x5180] =	vst v63  }
0x118: {  	_ =	swait.ge [sflag:s4], $0x4000  }
0x119: {  	[sflag:s4] =	ssyncset.done $0x0  }
0x11a: {  	[sflag:s4] =	ssyncadd.s32 $0xFFFFC000  }
0x11b: {  	_ =	swait.ge [sflag:s11], $0x80  }
0x11c: {  	[sflag:s11] =	ssyncset.done $0x0  }
0x11d: {  	s0 =	rddreg [dreg:$0x8];
	[sflag:s11] =	ssyncadd.s32 $0xFFFFFF80  }
0x11e: {  	[tilespmem:s2], [sflag:$0x1] =	stream.linear.gather [hbm4b:s0+s2], $0x80, $0x38;
	[tilespmem:$0x5180] =	vst v63  }
0x11f: {  	_ = 	snop  }
0x120: {  	[spmem:s1] =	stream.indirect.scatter.add.f32 [tilespmem:s5], [sflag:$0x3], $0x80, s9, s9, $0xb8;
	[tilespmem:$0x5180] =	vst v63  }
0x121: {  	_ =	swait.ge [sflag:s4], $0x4000  }
0x122: {  	[sflag:s4] =	ssyncset.done $0x0  }
0x123: {  	[sflag:s4] =	ssyncadd.s32 $0xFFFFC000  }
0x124: {  	_ =	swait.ge [sflag:s6], $0x80  }
0x125: {  	[sflag:s6] =	ssyncset.done $0x0  }
0x126: {  	s0 =	rddreg [dreg:$0x9];
	[sflag:s6] =	ssyncadd.s32 $0xFFFFFF80  }
0x127: {  	[tilespmem:s9], [sflag:$0x2] =	stream.linear.gather [hbm4b:s0+s2], $0x80, $0x38;
	[tilespmem:$0x5180] =	vst v63  }
0x128: {  	_ = 	snop  }
0x129: {  	[spmem:s1] =	stream.indirect.scatter.add.f32 [tilespmem:s5], [sflag:$0x3], $0x80, s2, s9, $0xb8;
	[tilespmem:$0x5180] =	vst v63  }
0x12a: {  	_ =	swait.ge [sflag:s4], $0x4000  }
0x12b: {  	[sflag:s4] =	ssyncset.done $0x0  }
0x12c: {  	[sflag:s4] =	ssyncadd.s32 $0xFFFFC000  }
0x12d: {  	_ =	swait.ge [sflag:s11], $0x80  }
0x12e: {  	[sflag:s11] =	ssyncset.done $0x0  }
0x12f: {  	s0 =	rddreg [dreg:$0xa];
	[sflag:s11] =	ssyncadd.s32 $0xFFFFFF80  }
0x130: {  	[tilespmem:s2], [sflag:$0x1] =	stream.linear.gather [hbm4b:s0+s2], $0x80, $0x38;
	[tilespmem:$0x5180] =	vst v63  }
0x131: {  	_ = 	snop  }
0x132: {  	[spmem:s1] =	stream.indirect.scatter.add.f32 [tilespmem:s5], [sflag:$0x3], $0x80, s9, s9, $0xb8;
	[tilespmem:$0x5180] =	vst v63  }
0x133: {  	_ =	swait.ge [sflag:s4], $0x4000  }
0x134: {  	[sflag:s4] =	ssyncset.done $0x0  }
0x135: {  	[sflag:s4] =	ssyncadd.s32 $0xFFFFC000  }
0x136: {  	_ =	swait.ge [sflag:s6], $0x80  }
0x137: {  	[sflag:s6] =	ssyncset.done $0x0  }
0x138: {  	s0 =	rddreg [dreg:$0xb];
	[sflag:s6] =	ssyncadd.s32 $0xFFFFFF80  }
0x139: {  	[tilespmem:s9], [sflag:$0x2] =	stream.linear.gather [hbm4b:s0+s2], $0x80, $0x38;
	[tilespmem:$0x5180] =	vst v63  }
0x13a: {  	_ = 	snop  }
0x13b: {  	[spmem:s1] =	stream.indirect.scatter.add.f32 [tilespmem:s5], [sflag:$0x3], $0x80, s2, s9, $0xb8;
	[tilespmem:$0x5180] =	vst v63  }
0x13c: {  	_ =	swait.ge [sflag:s4], $0x4000  }
0x13d: {  	[sflag:s4] =	ssyncset.done $0x0  }
0x13e: {  	[sflag:s4] =	ssyncadd.s32 $0xFFFFC000  }
0x13f: {  	_ =	swait.ge [sflag:s11], $0x80  }
0x140: {  	[sflag:s11] =	ssyncset.done $0x0  }
0x141: {  	s0 =	rddreg [dreg:$0xc];
	[sflag:s11] =	ssyncadd.s32 $0xFFFFFF80  }
0x142: {  	[tilespmem:s2], [sflag:$0x1] =	stream.linear.gather [hbm4b:s0+s2], $0x80, $0x38;
	[tilespmem:$0x5180] =	vst v63  }
0x143: {  	_ = 	snop  }
0x144: {  	[spmem:s1] =	stream.indirect.scatter.add.f32 [tilespmem:s5], [sflag:$0x3], $0x80, s9, s9, $0xb8;
	[tilespmem:$0x5180] =	vst v63  }
0x145: {  	_ =	swait.ge [sflag:s4], $0x4000  }
0x146: {  	[sflag:s4] =	ssyncset.done $0x0  }
0x147: {  	[sflag:s4] =	ssyncadd.s32 $0xFFFFC000  }
0x148: {  	_ =	swait.ge [sflag:s6], $0x80  }
0x149: {  	[sflag:s6] =	ssyncset.done $0x0  }
0x14a: {  	[sflag:s6] =	ssyncadd.s32 $0xFFFFFF80  }
0x14b: {  	[tilespmem:s9], [sflag:$0x2] =	stream.linear.gather [hbm4b:s28+s2], $0x80, $0x38;
	[tilespmem:$0x5180] =	vst v63  }
0x14c: {  	_ = 	snop  }
0x14d: {  	[spmem:s1] =	stream.indirect.scatter.add.f32 [tilespmem:s5], [sflag:$0x3], $0x80, s2, s9, $0xb8;
	[tilespmem:$0x5180] =	vst v63  }
0x14e: {  	_ =	swait.ge [sflag:s4], $0x4000  }
0x14f: {  	[sflag:s4] =	ssyncset.done $0x0  }
0x150: {  	[sflag:s4] =	ssyncadd.s32 $0xFFFFC000  }
0x151: {  	_ =	swait.ge [sflag:s11], $0x80  }
0x152: {  	[sflag:s11] =	ssyncset.done $0x0  }
0x153: {  	[sflag:s11] =	ssyncadd.s32 $0xFFFFFF80  }
0x154: {  	[tilespmem:s2], [sflag:$0x1] =	stream.linear.gather [hbm4b:s26+s2], $0x80, $0x38;
	[tilespmem:$0x5180] =	vst v63  }
0x155: {  	_ = 	snop  }
0x156: {  	[spmem:s1] =	stream.indirect.scatter.add.f32 [tilespmem:s5], [sflag:$0x3], $0x80, s9, s9, $0xb8;
	[tilespmem:$0x5180] =	vst v63  }
0x157: {  	_ =	swait.ge [sflag:s4], $0x4000  }
0x158: {  	[sflag:s4] =	ssyncset.done $0x0  }
0x159: {  	[sflag:s4] =	ssyncadd.s32 $0xFFFFC000  }
0x15a: {  	_ =	swait.ge [sflag:s6], $0x80  }
0x15b: {  	[sflag:s6] =	ssyncset.done $0x0  }
0x15c: {  	[sflag:s6] =	ssyncadd.s32 $0xFFFFFF80  }
0x15d: {  	[tilespmem:s9], [sflag:$0x2] =	stream.linear.gather [hbm4b:s25+s2], $0x80, $0x38;
	[tilespmem:$0x5180] =	vst v63  }
0x15e: {  	_ = 	snop  }
0x15f: {  	[spmem:s1] =	stream.indirect.scatter.add.f32 [tilespmem:s5], [sflag:$0x3], $0x80, s2, s9, $0xb8;
	[tilespmem:$0x5180] =	vst v63  }
0x160: {  	_ =	swait.ge [sflag:s4], $0x4000  }
0x161: {  	[sflag:s4] =	ssyncset.done $0x0  }
0x162: {  	[sflag:s4] =	ssyncadd.s32 $0xFFFFC000  }
0x163: {  	_ =	swait.ge [sflag:s11], $0x80  }
0x164: {  	[sflag:s11] =	ssyncset.done $0x0  }
0x165: {  	[sflag:s11] =	ssyncadd.s32 $0xFFFFFF80  }
0x166: {  	[tilespmem:s2], [sflag:$0x1] =	stream.linear.gather [hbm4b:s24+s2], $0x80, $0x38;
	[tilespmem:$0x5180] =	vst v63  }
0x167: {  	_ = 	snop  }
0x168: {  	[spmem:s1] =	stream.indirect.scatter.add.f32 [tilespmem:s5], [sflag:$0x3], $0x80, s9, s9, $0xb8;
	[tilespmem:$0x5180] =	vst v63  }
0x169: {  	_ =	swait.ge [sflag:s4], $0x4000  }
0x16a: {  	[sflag:s4] =	ssyncset.done $0x0  }
0x16b: {  	[sflag:s4] =	ssyncadd.s32 $0xFFFFC000  }
0x16c: {  	_ =	swait.ge [sflag:s6], $0x80  }
0x16d: {  	[sflag:s6] =	ssyncset.done $0x0  }
0x16e: {  	[sflag:s6] =	ssyncadd.s32 $0xFFFFFF80  }
0x16f: {  	[tilespmem:s9], [sflag:$0x2] =	stream.linear.gather [hbm4b:s23+s2], $0x80, $0x38;
	[tilespmem:$0x5180] =	vst v63  }
0x170: {  	_ = 	snop  }
0x171: {  	[spmem:s1] =	stream.indirect.scatter.add.f32 [tilespmem:s5], [sflag:$0x3], $0x80, s2, s9, $0xb8;
	[tilespmem:$0x5180] =	vst v63  }
0x172: {  	_ =	swait.ge [sflag:s4], $0x4000  }
0x173: {  	[sflag:s4] =	ssyncset.done $0x0  }
0x174: {  	[sflag:s4] =	ssyncadd.s32 $0xFFFFC000  }
0x175: {  	_ =	swait.ge [sflag:s11], $0x80  }
0x176: {  	[sflag:s11] =	ssyncset.done $0x0  }
0x177: {  	[sflag:s11] =	ssyncadd.s32 $0xFFFFFF80  }
0x178: {  	[tilespmem:s2], [sflag:$0x1] =	stream.linear.gather [hbm4b:s22+s2], $0x80, $0x38;
	[tilespmem:$0x5180] =	vst v63  }
0x179: {  	_ = 	snop  }
0x17a: {  	[spmem:s1] =	stream.indirect.scatter.add.f32 [tilespmem:s5], [sflag:$0x3], $0x80, s9, s9, $0xb8;
	[tilespmem:$0x5180] =	vst v63  }
0x17b: {  	_ =	swait.ge [sflag:s4], $0x4000  }
0x17c: {  	[sflag:s4] =	ssyncset.done $0x0  }
0x17d: {  	[sflag:s4] =	ssyncadd.s32 $0xFFFFC000  }
0x17e: {  	_ =	swait.ge [sflag:s6], $0x80  }
0x17f: {  	[sflag:s6] =	ssyncset.done $0x0  }
0x180: {  	[sflag:s6] =	ssyncadd.s32 $0xFFFFFF80  }
0x181: {  	[tilespmem:s9], [sflag:$0x2] =	stream.linear.gather [hbm4b:s21+s2], $0x80, $0x38;
	[tilespmem:$0x5180] =	vst v63  }
0x182: {  	_ = 	snop  }
0x183: {  	[spmem:s1] =	stream.indirect.scatter.add.f32 [tilespmem:s5], [sflag:$0x3], $0x80, s2, s9, $0xb8;
	[tilespmem:$0x5180] =	vst v63  }
0x184: {  	_ =	swait.ge [sflag:s4], $0x4000  }
0x185: {  	[sflag:s4] =	ssyncset.done $0x0  }
0x186: {  	[sflag:s4] =	ssyncadd.s32 $0xFFFFC000  }
0x187: {  	_ =	swait.ge [sflag:s11], $0x80  }
0x188: {  	[sflag:s11] =	ssyncset.done $0x0  }
0x189: {  	[sflag:s11] =	ssyncadd.s32 $0xFFFFFF80  }
0x18a: {  	[tilespmem:s2], [sflag:$0x1] =	stream.linear.gather [hbm4b:s20+s2], $0x80, $0x38;
	[tilespmem:$0x5180] =	vst v63  }
0x18b: {  	_ = 	snop  }
0x18c: {  	[spmem:s1] =	stream.indirect.scatter.add.f32 [tilespmem:s5], [sflag:$0x3], $0x80, s9, s9, $0xb8;
	[tilespmem:$0x5180] =	vst v63  }
0x18d: {  	_ =	swait.ge [sflag:s4], $0x4000  }
0x18e: {  	[sflag:s4] =	ssyncset.done $0x0  }
0x18f: {  	[sflag:s4] =	ssyncadd.s32 $0xFFFFC000  }
0x190: {  	_ =	swait.ge [sflag:s6], $0x80  }
0x191: {  	[sflag:s6] =	ssyncset.done $0x0  }
0x192: {  	[sflag:s6] =	ssyncadd.s32 $0xFFFFFF80  }
0x193: {  	[tilespmem:s9], [sflag:$0x2] =	stream.linear.gather [hbm4b:s19+s2], $0x80, $0x38;
	[tilespmem:$0x5180] =	vst v63  }
0x194: {  	_ = 	snop  }
0x195: {  	[spmem:s1] =	stream.indirect.scatter.add.f32 [tilespmem:s5], [sflag:$0x3], $0x80, s2, s9, $0xb8;
	[tilespmem:$0x5180] =	vst v63  }
0x196: {  	_ =	swait.ge [sflag:s4], $0x4000  }
0x197: {  	[sflag:s4] =	ssyncset.done $0x0  }
0x198: {  	[sflag:s4] =	ssyncadd.s32 $0xFFFFC000  }
0x199: {  	_ =	swait.ge [sflag:s11], $0x80  }
0x19a: {  	[sflag:s11] =	ssyncset.done $0x0  }
0x19b: {  	[sflag:s11] =	ssyncadd.s32 $0xFFFFFF80  }
0x19c: {  	[tilespmem:s2], [sflag:$0x1] =	stream.linear.gather [hbm4b:s18+s2], $0x80, $0x38;
	[tilespmem:$0x5180] =	vst v63  }
0x19d: {  	_ = 	snop  }
0x19e: {  	[spmem:s1] =	stream.indirect.scatter.add.f32 [tilespmem:s5], [sflag:$0x3], $0x80, s9, s9, $0xb8;
	[tilespmem:$0x5180] =	vst v63  }
0x19f: {  	_ =	swait.ge [sflag:s4], $0x4000  }
0x1a0: {  	[sflag:s4] =	ssyncset.done $0x0  }
0x1a1: {  	[sflag:s4] =	ssyncadd.s32 $0xFFFFC000  }
0x1a2: {  	_ =	swait.ge [sflag:s6], $0x80  }
0x1a3: {  	[sflag:s6] =	ssyncset.done $0x0  }
0x1a4: {  	[sflag:s6] =	ssyncadd.s32 $0xFFFFFF80  }
0x1a5: {  	[tilespmem:s9], [sflag:$0x2] =	stream.linear.gather [hbm4b:s17+s2], $0x80, $0x38;
	[tilespmem:$0x5180] =	vst v63  }
0x1a6: {  	_ = 	snop  }
0x1a7: {  	[spmem:s1] =	stream.indirect.scatter.add.f32 [tilespmem:s5], [sflag:$0x3], $0x80, s2, s9, $0xb8;
	[tilespmem:$0x5180] =	vst v63  }
0x1a8: {  	_ =	swait.ge [sflag:s4], $0x4000  }
0x1a9: {  	[sflag:s4] =	ssyncset.done $0x0  }
0x1aa: {  	[sflag:s4] =	ssyncadd.s32 $0xFFFFC000  }
0x1ab: {  	_ =	swait.ge [sflag:s11], $0x80  }
0x1ac: {  	[sflag:s11] =	ssyncset.done $0x0  }
0x1ad: {  	[sflag:s11] =	ssyncadd.s32 $0xFFFFFF80  }
0x1ae: {  	[tilespmem:s2], [sflag:$0x1] =	stream.linear.gather [hbm4b:s16+s2], $0x80, $0x38;
	[tilespmem:$0x5180] =	vst v63  }
0x1af: {  	_ = 	snop  }
0x1b0: {  	[spmem:s1] =	stream.indirect.scatter.add.f32 [tilespmem:s5], [sflag:$0x3], $0x80, s9, s9, $0xb8;
	[tilespmem:$0x5180] =	vst v63  }
0x1b1: {  	_ =	swait.ge [sflag:s4], $0x4000  }
0x1b2: {  	[sflag:s4] =	ssyncset.done $0x0  }
0x1b3: {  	[sflag:s4] =	ssyncadd.s32 $0xFFFFC000  }
0x1b4: {  	_ =	swait.ge [sflag:s6], $0x80  }
0x1b5: {  	[sflag:s6] =	ssyncset.done $0x0  }
0x1b6: {  	[sflag:s6] =	ssyncadd.s32 $0xFFFFFF80  }
0x1b7: {  	[tilespmem:s9], [sflag:$0x2] =	stream.linear.gather [hbm4b:s15+s2], $0x80, $0x38;
	[tilespmem:$0x5180] =	vst v63  }
0x1b8: {  	_ = 	snop  }
0x1b9: {  	[spmem:s1] =	stream.indirect.scatter.add.f32 [tilespmem:s5], [sflag:$0x3], $0x80, s2, s9, $0xb8;
	[tilespmem:$0x5180] =	vst v63  }
0x1ba: {  	_ =	swait.ge [sflag:s4], $0x4000  }
0x1bb: {  	[sflag:s4] =	ssyncset.done $0x0  }
0x1bc: {  	[sflag:s4] =	ssyncadd.s32 $0xFFFFC000  }
0x1bd: {  	_ =	swait.ge [sflag:s11], $0x80  }
0x1be: {  	[sflag:s11] =	ssyncset.done $0x0  }
0x1bf: {  	[sflag:s11] =	ssyncadd.s32 $0xFFFFFF80  }
0x1c0: {  	[tilespmem:s2], [sflag:$0x1] =	stream.linear.gather [hbm4b:s14+s2], $0x80, $0x38;
	[tilespmem:$0x5180] =	vst v63  }
0x1c1: {  	_ = 	snop  }
0x1c2: {  	[spmem:s1] =	stream.indirect.scatter.add.f32 [tilespmem:s5], [sflag:$0x3], $0x80, s9, s9, $0xb8;
	[tilespmem:$0x5180] =	vst v63  }
0x1c3: {  	_ =	swait.ge [sflag:s4], $0x4000  }
0x1c4: {  	[sflag:s4] =	ssyncset.done $0x0  }
0x1c5: {  	[sflag:s4] =	ssyncadd.s32 $0xFFFFC000  }
0x1c6: {  	_ =	swait.ge [sflag:s6], $0x80  }
0x1c7: {  	[sflag:s6] =	ssyncset.done $0x0  }
0x1c8: {  	[sflag:s6] =	ssyncadd.s32 $0xFFFFFF80  }
0x1c9: {  	[tilespmem:s9], [sflag:$0x2] =	stream.linear.gather [hbm4b:s13+s2], $0x80, $0x38;
	[tilespmem:$0x5180] =	vst v63  }
0x1ca: {  	_ = 	snop  }
0x1cb: {  	[spmem:s1] =	stream.indirect.scatter.add.f32 [tilespmem:s5], [sflag:$0x3], $0x80, s2, s9, $0xb8;
	[tilespmem:$0x5180] =	vst v63  }
0x1cc: {  	_ =	swait.ge [sflag:s4], $0x4000  }
0x1cd: {  	[sflag:s4] =	ssyncset.done $0x0  }
0x1ce: {  	[sflag:s4] =	ssyncadd.s32 $0xFFFFC000  }
0x1cf: {  	_ =	swait.ge [sflag:s11], $0x80  }
0x1d0: {  	[sflag:s11] =	ssyncset.done $0x0  }
0x1d1: {  	[sflag:s11] =	ssyncadd.s32 $0xFFFFFF80  }
0x1d2: {  	[tilespmem:s2], [sflag:$0x1] =	stream.linear.gather [hbm4b:s12+s2], $0x80, $0x38;
	[tilespmem:$0x5180] =	vst v63  }
0x1d3: {  	_ = 	snop  }
0x1d4: {  	[spmem:s1] =	stream.indirect.scatter.add.f32 [tilespmem:s5], [sflag:$0x3], $0x80, s9, s9, $0xb8;
	[tilespmem:$0x5180] =	vst v63  }
0x1d5: {  	_ =	swait.ge [sflag:s4], $0x4000  }
0x1d6: {  	[sflag:s4] =	ssyncset.done $0x0  }
0x1d7: {  	[sflag:s4] =	ssyncadd.s32 $0xFFFFC000  }
0x1d8: {  	_ =	swait.ge [sflag:s6], $0x80  }
0x1d9: {  	[sflag:s6] =	ssyncset.done $0x0  }
0x1da: {  	[sflag:s6] =	ssyncadd.s32 $0xFFFFFF80  }
0x1db: {  	[tilespmem:s9], [sflag:$0x2] =	stream.linear.gather [hbm4b:s10+s2], $0x80, $0x38;
	[tilespmem:$0x5180] =	vst v63  }
0x1dc: {  	_ = 	snop  }
0x1dd: {  	[spmem:s1] =	stream.indirect.scatter.add.f32 [tilespmem:s5], [sflag:$0x3], $0x80, s2, s9, $0xb8;
	[tilespmem:$0x5180] =	vst v63  }
0x1de: {  	_ =	swait.ge [sflag:s4], $0x4000  }
0x1df: {  	[sflag:s4] =	ssyncset.done $0x0  }
0x1e0: {  	[sflag:s4] =	ssyncadd.s32 $0xFFFFC000  }
0x1e1: {  	_ =	swait.ge [sflag:s11], $0x80  }
0x1e2: {  	[sflag:s11] =	ssyncset.done $0x0  }
0x1e3: {  	[sflag:s11] =	ssyncadd.s32 $0xFFFFFF80  }
0x1e4: {  	[tilespmem:s2], [sflag:$0x1] =	stream.linear.gather [hbm4b:s7+s2], $0x80, $0x38;
	[tilespmem:$0x5180] =	vst v63  }
0x1e5: {  	_ = 	snop  }
0x1e6: {  	[spmem:s1] =	stream.indirect.scatter.add.f32 [tilespmem:s5], [sflag:$0x3], $0x80, s9, s9, $0xb8;
	[tilespmem:$0x5180] =	vst v63  }
0x1e7: {  	_ =	swait.ge [sflag:s4], $0x4000  }
0x1e8: {  	[sflag:s4] =	ssyncset.done $0x0  }
0x1e9: {  	[sflag:s4] =	ssyncadd.s32 $0xFFFFC000  }
0x1ea: {  	_ =	swait.ge [sflag:s6], $0x80  }
0x1eb: {  	[sflag:s6] =	ssyncset.done $0x0  }
0x1ec: {  	[sflag:s6] =	ssyncadd.s32 $0xFFFFFF80  }
0x1ed: {  	[spmem:s1] =	stream.indirect.scatter.add.f32 [tilespmem:s5], [sflag:$0x3], $0x80, s2, s9, $0xb8;
	[tilespmem:$0x5180] =	vst v63  }
0x1ee: {  	s31 =	sadd.s32 $0xFFFFFFFF, s31;
	_ =	swait.ge [sflag:s4], $0x4000  }
0x1ef: {  	p2 =	sne.s32 s31, $0x0;
	[sflag:s4] =	ssyncset.done $0x0  }
.Ltmp2:
0x1f0: {  	[sflag:s4] =	ssyncadd.s32 $0xFFFFC000;
	(pc) =	sbr.rel @p2 .LBB2_3-.Ltmp2, $4  }
0x1f1: {  	[bflag:$0x0] =	sbarrier.arrive $0xFFFF  }
0x1f2: {  	[hbm:s3], [sflag:s30] =	dma.local @!p0 [spmem:s8], $0x2100  }
0x1f3: {  	_ =	swait.ge @!p0 [sflag:s29], $0x2100  }
0x1f4: {  	s0 =	rddreg [dreg:$0x5];
	[sflag:s29] =	ssyncset.done @!p0 $0x0  }
.LBB2_4:
0x1f5: {  	p1 =	por p0, !p1  }
0x1f6: {  	[sflag:s29] =	ssyncadd.s32 @!p1 $0xFFFFDF00  }
0x1f7: {  	[tilespmem:s5], [sflag:$0x3] =	stream.linear.gather [hbm4b:s0+s2], $0x4000, $0x38;
	[tilespmem:$0x5180] =	vst v63  }
0x1f8: {  	_ =	swait.ge [sflag:s4], $0x4000  }
0x1f9: {  	s30 =	simm.s32 @!p0 $0x1C03;
	[sflag:s4] =	ssyncset.done $0x0  }
0x1fa: {  	s29 =	simm.s32 @!p0 $0x3;
	s0 =	rddreg [dreg:$0x4];
	[sflag:s4] =	ssyncadd.s32 $0xFFFFC000  }
0x1fb: {  	[spmem:s8], [sflag:s30] =	dma.local @!p0 [hbm:s0], $0x2100  }
0x1fc: {  	_ =	swait.ge @!p0 [sflag:s29], $0x2100  }
0x1fd: {  	[sflag:s29] =	ssyncset.done @!p0 $0x0  }
0x1fe: {  	[sflag:s29] =	ssyncadd.s32 @!p0 $0xFFFFDF00  }
0x1ff: {  	[bflag:$0x0] =	sbarrier.arrive $0xFFFF  }
0x200: {  	s31 =	rddreg [dreg:$0x6]  }
0x201: {  	[tilespmem:s2], [sflag:$0x1] =	stream.linear.gather [hbm4b:s31+s2], $0x80, $0x38;
	[tilespmem:$0x5180] =	vst v63  }
0x202: {  	_ =	swait.ge [sflag:s6], $0x80  }
0x203: {  	[sflag:s6] =	ssyncset.done $0x0  }
0x204: {  	s31 =	rddreg [dreg:$0x7];
	[sflag:s6] =	ssyncadd.s32 $0xFFFFFF80  }
0x205: {  	[tilespmem:s9], [sflag:$0x2] =	stream.linear.gather [hbm4b:s31+s2], $0x80, $0x38;
	[tilespmem:$0x5180] =	vst v63  }
0x206: {  	_ = 	snop  }
0x207: {  	[spmem:s1] =	stream.indirect.scatter.add.f32 [tilespmem:s5], [sflag:$0x3], $0x80, s2, s9, $0xb8;
	[tilespmem:$0x5180] =	vst v63  }
0x208: {  	_ =	swait.ge [sflag:s4], $0x4000  }
0x209: {  	[sflag:s4] =	ssyncset.done $0x0  }
0x20a: {  	[sflag:s4] =	ssyncadd.s32 $0xFFFFC000  }
0x20b: {  	_ =	swait.ge [sflag:s11], $0x80  }
0x20c: {  	[sflag:s11] =	ssyncset.done $0x0  }
0x20d: {  	s31 =	rddreg [dreg:$0x8];
	[sflag:s11] =	ssyncadd.s32 $0xFFFFFF80  }
0x20e: {  	[tilespmem:s2], [sflag:$0x1] =	stream.linear.gather [hbm4b:s31+s2], $0x80, $0x38;
	[tilespmem:$0x5180] =	vst v63  }
0x20f: {  	_ = 	snop  }
0x210: {  	[spmem:s1] =	stream.indirect.scatter.add.f32 [tilespmem:s5], [sflag:$0x3], $0x80, s9, s9, $0xb8;
	[tilespmem:$0x5180] =	vst v63  }
0x211: {  	_ =	swait.ge [sflag:s4], $0x4000  }
0x212: {  	[sflag:s4] =	ssyncset.done $0x0  }
0x213: {  	[sflag:s4] =	ssyncadd.s32 $0xFFFFC000  }
0x214: {  	_ =	swait.ge [sflag:s6], $0x80  }
0x215: {  	[sflag:s6] =	ssyncset.done $0x0  }
0x216: {  	s31 =	rddreg [dreg:$0x9];
	[sflag:s6] =	ssyncadd.s32 $0xFFFFFF80  }
0x217: {  	[tilespmem:s9], [sflag:$0x2] =	stream.linear.gather [hbm4b:s31+s2], $0x80, $0x38;
	[tilespmem:$0x5180] =	vst v63  }
0x218: {  	_ = 	snop  }
0x219: {  	[spmem:s1] =	stream.indirect.scatter.add.f32 [tilespmem:s5], [sflag:$0x3], $0x80, s2, s9, $0xb8;
	[tilespmem:$0x5180] =	vst v63  }
0x21a: {  	_ =	swait.ge [sflag:s4], $0x4000  }
0x21b: {  	[sflag:s4] =	ssyncset.done $0x0  }
0x21c: {  	[sflag:s4] =	ssyncadd.s32 $0xFFFFC000  }
0x21d: {  	_ =	swait.ge [sflag:s11], $0x80  }
0x21e: {  	[sflag:s11] =	ssyncset.done $0x0  }
0x21f: {  	s31 =	rddreg [dreg:$0xa];
	[sflag:s11] =	ssyncadd.s32 $0xFFFFFF80  }
0x220: {  	[tilespmem:s2], [sflag:$0x1] =	stream.linear.gather [hbm4b:s31+s2], $0x80, $0x38;
	[tilespmem:$0x5180] =	vst v63  }
0x221: {  	_ = 	snop  }
0x222: {  	[spmem:s1] =	stream.indirect.scatter.add.f32 [tilespmem:s5], [sflag:$0x3], $0x80, s9, s9, $0xb8;
	[tilespmem:$0x5180] =	vst v63  }
0x223: {  	_ =	swait.ge [sflag:s4], $0x4000  }
0x224: {  	[sflag:s4] =	ssyncset.done $0x0  }
0x225: {  	[sflag:s4] =	ssyncadd.s32 $0xFFFFC000  }
0x226: {  	_ =	swait.ge [sflag:s6], $0x80  }
0x227: {  	[sflag:s6] =	ssyncset.done $0x0  }
0x228: {  	s31 =	rddreg [dreg:$0xb];
	[sflag:s6] =	ssyncadd.s32 $0xFFFFFF80  }
0x229: {  	[tilespmem:s9], [sflag:$0x2] =	stream.linear.gather [hbm4b:s31+s2], $0x80, $0x38;
	[tilespmem:$0x5180] =	vst v63  }
0x22a: {  	_ = 	snop  }
0x22b: {  	[spmem:s1] =	stream.indirect.scatter.add.f32 [tilespmem:s5], [sflag:$0x3], $0x80, s2, s9, $0xb8;
	[tilespmem:$0x5180] =	vst v63  }
0x22c: {  	_ =	swait.ge [sflag:s4], $0x4000  }
0x22d: {  	[sflag:s4] =	ssyncset.done $0x0  }
0x22e: {  	[sflag:s4] =	ssyncadd.s32 $0xFFFFC000  }
0x22f: {  	_ =	swait.ge [sflag:s11], $0x80  }
0x230: {  	[sflag:s11] =	ssyncset.done $0x0  }
0x231: {  	s31 =	rddreg [dreg:$0xc];
	[sflag:s11] =	ssyncadd.s32 $0xFFFFFF80  }
0x232: {  	[tilespmem:s2], [sflag:$0x1] =	stream.linear.gather [hbm4b:s31+s2], $0x80, $0x38;
	[tilespmem:$0x5180] =	vst v63  }
0x233: {  	_ = 	snop  }
0x234: {  	[spmem:s1] =	stream.indirect.scatter.add.f32 [tilespmem:s5], [sflag:$0x3], $0x80, s9, s9, $0xb8;
	[tilespmem:$0x5180] =	vst v63  }
0x235: {  	_ =	swait.ge [sflag:s4], $0x4000  }
0x236: {  	[sflag:s4] =	ssyncset.done $0x0  }
0x237: {  	[sflag:s4] =	ssyncadd.s32 $0xFFFFC000  }
0x238: {  	_ =	swait.ge [sflag:s6], $0x80  }
0x239: {  	[sflag:s6] =	ssyncset.done $0x0  }
0x23a: {  	[sflag:s6] =	ssyncadd.s32 $0xFFFFFF80  }
0x23b: {  	[tilespmem:s9], [sflag:$0x2] =	stream.linear.gather [hbm4b:s28+s2], $0x80, $0x38;
	[tilespmem:$0x5180] =	vst v63  }
0x23c: {  	_ = 	snop  }
0x23d: {  	[spmem:s1] =	stream.indirect.scatter.add.f32 [tilespmem:s5], [sflag:$0x3], $0x80, s2, s9, $0xb8;
	[tilespmem:$0x5180] =	vst v63  }
0x23e: {  	_ =	swait.ge [sflag:s4], $0x4000  }
0x23f: {  	[sflag:s4] =	ssyncset.done $0x0  }
0x240: {  	[sflag:s4] =	ssyncadd.s32 $0xFFFFC000  }
0x241: {  	_ =	swait.ge [sflag:s11], $0x80  }
0x242: {  	[sflag:s11] =	ssyncset.done $0x0  }
0x243: {  	[sflag:s11] =	ssyncadd.s32 $0xFFFFFF80  }
0x244: {  	[tilespmem:s2], [sflag:$0x1] =	stream.linear.gather [hbm4b:s26+s2], $0x80, $0x38;
	[tilespmem:$0x5180] =	vst v63  }
0x245: {  	_ = 	snop  }
0x246: {  	[spmem:s1] =	stream.indirect.scatter.add.f32 [tilespmem:s5], [sflag:$0x3], $0x80, s9, s9, $0xb8;
	[tilespmem:$0x5180] =	vst v63  }
0x247: {  	_ =	swait.ge [sflag:s4], $0x4000  }
0x248: {  	[sflag:s4] =	ssyncset.done $0x0  }
0x249: {  	[sflag:s4] =	ssyncadd.s32 $0xFFFFC000  }
0x24a: {  	_ =	swait.ge [sflag:s6], $0x80  }
0x24b: {  	[sflag:s6] =	ssyncset.done $0x0  }
0x24c: {  	[sflag:s6] =	ssyncadd.s32 $0xFFFFFF80  }
0x24d: {  	[tilespmem:s9], [sflag:$0x2] =	stream.linear.gather [hbm4b:s25+s2], $0x80, $0x38;
	[tilespmem:$0x5180] =	vst v63  }
0x24e: {  	_ = 	snop  }
0x24f: {  	[spmem:s1] =	stream.indirect.scatter.add.f32 [tilespmem:s5], [sflag:$0x3], $0x80, s2, s9, $0xb8;
	[tilespmem:$0x5180] =	vst v63  }
0x250: {  	_ =	swait.ge [sflag:s4], $0x4000  }
0x251: {  	[sflag:s4] =	ssyncset.done $0x0  }
0x252: {  	[sflag:s4] =	ssyncadd.s32 $0xFFFFC000  }
0x253: {  	_ =	swait.ge [sflag:s11], $0x80  }
0x254: {  	[sflag:s11] =	ssyncset.done $0x0  }
0x255: {  	[sflag:s11] =	ssyncadd.s32 $0xFFFFFF80  }
0x256: {  	[tilespmem:s2], [sflag:$0x1] =	stream.linear.gather [hbm4b:s24+s2], $0x80, $0x38;
	[tilespmem:$0x5180] =	vst v63  }
0x257: {  	_ = 	snop  }
0x258: {  	[spmem:s1] =	stream.indirect.scatter.add.f32 [tilespmem:s5], [sflag:$0x3], $0x80, s9, s9, $0xb8;
	[tilespmem:$0x5180] =	vst v63  }
0x259: {  	_ =	swait.ge [sflag:s4], $0x4000  }
0x25a: {  	[sflag:s4] =	ssyncset.done $0x0  }
0x25b: {  	[sflag:s4] =	ssyncadd.s32 $0xFFFFC000  }
0x25c: {  	_ =	swait.ge [sflag:s6], $0x80  }
0x25d: {  	[sflag:s6] =	ssyncset.done $0x0  }
0x25e: {  	[sflag:s6] =	ssyncadd.s32 $0xFFFFFF80  }
0x25f: {  	[tilespmem:s9], [sflag:$0x2] =	stream.linear.gather [hbm4b:s23+s2], $0x80, $0x38;
	[tilespmem:$0x5180] =	vst v63  }
0x260: {  	_ = 	snop  }
0x261: {  	[spmem:s1] =	stream.indirect.scatter.add.f32 [tilespmem:s5], [sflag:$0x3], $0x80, s2, s9, $0xb8;
	[tilespmem:$0x5180] =	vst v63  }
0x262: {  	_ =	swait.ge [sflag:s4], $0x4000  }
0x263: {  	[sflag:s4] =	ssyncset.done $0x0  }
0x264: {  	[sflag:s4] =	ssyncadd.s32 $0xFFFFC000  }
0x265: {  	_ =	swait.ge [sflag:s11], $0x80  }
0x266: {  	[sflag:s11] =	ssyncset.done $0x0  }
0x267: {  	[sflag:s11] =	ssyncadd.s32 $0xFFFFFF80  }
0x268: {  	[tilespmem:s2], [sflag:$0x1] =	stream.linear.gather [hbm4b:s22+s2], $0x80, $0x38;
	[tilespmem:$0x5180] =	vst v63  }
0x269: {  	_ = 	snop  }
0x26a: {  	[spmem:s1] =	stream.indirect.scatter.add.f32 [tilespmem:s5], [sflag:$0x3], $0x80, s9, s9, $0xb8;
	[tilespmem:$0x5180] =	vst v63  }
0x26b: {  	_ =	swait.ge [sflag:s4], $0x4000  }
0x26c: {  	[sflag:s4] =	ssyncset.done $0x0  }
0x26d: {  	[sflag:s4] =	ssyncadd.s32 $0xFFFFC000  }
0x26e: {  	_ =	swait.ge [sflag:s6], $0x80  }
0x26f: {  	[sflag:s6] =	ssyncset.done $0x0  }
0x270: {  	[sflag:s6] =	ssyncadd.s32 $0xFFFFFF80  }
0x271: {  	[tilespmem:s9], [sflag:$0x2] =	stream.linear.gather [hbm4b:s21+s2], $0x80, $0x38;
	[tilespmem:$0x5180] =	vst v63  }
0x272: {  	_ = 	snop  }
0x273: {  	[spmem:s1] =	stream.indirect.scatter.add.f32 [tilespmem:s5], [sflag:$0x3], $0x80, s2, s9, $0xb8;
	[tilespmem:$0x5180] =	vst v63  }
0x274: {  	_ =	swait.ge [sflag:s4], $0x4000  }
0x275: {  	[sflag:s4] =	ssyncset.done $0x0  }
0x276: {  	[sflag:s4] =	ssyncadd.s32 $0xFFFFC000  }
0x277: {  	_ =	swait.ge [sflag:s11], $0x80  }
0x278: {  	[sflag:s11] =	ssyncset.done $0x0  }
0x279: {  	[sflag:s11] =	ssyncadd.s32 $0xFFFFFF80  }
0x27a: {  	[tilespmem:s2], [sflag:$0x1] =	stream.linear.gather [hbm4b:s20+s2], $0x80, $0x38;
	[tilespmem:$0x5180] =	vst v63  }
0x27b: {  	_ = 	snop  }
0x27c: {  	[spmem:s1] =	stream.indirect.scatter.add.f32 [tilespmem:s5], [sflag:$0x3], $0x80, s9, s9, $0xb8;
	[tilespmem:$0x5180] =	vst v63  }
0x27d: {  	_ =	swait.ge [sflag:s4], $0x4000  }
0x27e: {  	[sflag:s4] =	ssyncset.done $0x0  }
0x27f: {  	[sflag:s4] =	ssyncadd.s32 $0xFFFFC000  }
0x280: {  	_ =	swait.ge [sflag:s6], $0x80  }
0x281: {  	[sflag:s6] =	ssyncset.done $0x0  }
0x282: {  	[sflag:s6] =	ssyncadd.s32 $0xFFFFFF80  }
0x283: {  	[tilespmem:s9], [sflag:$0x2] =	stream.linear.gather [hbm4b:s19+s2], $0x80, $0x38;
	[tilespmem:$0x5180] =	vst v63  }
0x284: {  	_ = 	snop  }
0x285: {  	[spmem:s1] =	stream.indirect.scatter.add.f32 [tilespmem:s5], [sflag:$0x3], $0x80, s2, s9, $0xb8;
	[tilespmem:$0x5180] =	vst v63  }
0x286: {  	_ =	swait.ge [sflag:s4], $0x4000  }
0x287: {  	[sflag:s4] =	ssyncset.done $0x0  }
0x288: {  	[sflag:s4] =	ssyncadd.s32 $0xFFFFC000  }
0x289: {  	_ =	swait.ge [sflag:s11], $0x80  }
0x28a: {  	[sflag:s11] =	ssyncset.done $0x0  }
0x28b: {  	[sflag:s11] =	ssyncadd.s32 $0xFFFFFF80  }
0x28c: {  	[tilespmem:s2], [sflag:$0x1] =	stream.linear.gather [hbm4b:s18+s2], $0x80, $0x38;
	[tilespmem:$0x5180] =	vst v63  }
0x28d: {  	_ = 	snop  }
0x28e: {  	[spmem:s1] =	stream.indirect.scatter.add.f32 [tilespmem:s5], [sflag:$0x3], $0x80, s9, s9, $0xb8;
	[tilespmem:$0x5180] =	vst v63  }
0x28f: {  	_ =	swait.ge [sflag:s4], $0x4000  }
0x290: {  	[sflag:s4] =	ssyncset.done $0x0  }
0x291: {  	[sflag:s4] =	ssyncadd.s32 $0xFFFFC000  }
0x292: {  	_ =	swait.ge [sflag:s6], $0x80  }
0x293: {  	[sflag:s6] =	ssyncset.done $0x0  }
0x294: {  	[sflag:s6] =	ssyncadd.s32 $0xFFFFFF80  }
0x295: {  	[tilespmem:s9], [sflag:$0x2] =	stream.linear.gather [hbm4b:s17+s2], $0x80, $0x38;
	[tilespmem:$0x5180] =	vst v63  }
0x296: {  	_ = 	snop  }
0x297: {  	[spmem:s1] =	stream.indirect.scatter.add.f32 [tilespmem:s5], [sflag:$0x3], $0x80, s2, s9, $0xb8;
	[tilespmem:$0x5180] =	vst v63  }
0x298: {  	_ =	swait.ge [sflag:s4], $0x4000  }
0x299: {  	[sflag:s4] =	ssyncset.done $0x0  }
0x29a: {  	[sflag:s4] =	ssyncadd.s32 $0xFFFFC000  }
0x29b: {  	_ =	swait.ge [sflag:s11], $0x80  }
0x29c: {  	[sflag:s11] =	ssyncset.done $0x0  }
0x29d: {  	[sflag:s11] =	ssyncadd.s32 $0xFFFFFF80  }
0x29e: {  	[tilespmem:s2], [sflag:$0x1] =	stream.linear.gather [hbm4b:s16+s2], $0x80, $0x38;
	[tilespmem:$0x5180] =	vst v63  }
0x29f: {  	_ = 	snop  }
0x2a0: {  	[spmem:s1] =	stream.indirect.scatter.add.f32 [tilespmem:s5], [sflag:$0x3], $0x80, s9, s9, $0xb8;
	[tilespmem:$0x5180] =	vst v63  }
0x2a1: {  	_ =	swait.ge [sflag:s4], $0x4000  }
0x2a2: {  	[sflag:s4] =	ssyncset.done $0x0  }
0x2a3: {  	[sflag:s4] =	ssyncadd.s32 $0xFFFFC000  }
0x2a4: {  	_ =	swait.ge [sflag:s6], $0x80  }
0x2a5: {  	[sflag:s6] =	ssyncset.done $0x0  }
0x2a6: {  	[sflag:s6] =	ssyncadd.s32 $0xFFFFFF80  }
0x2a7: {  	[tilespmem:s9], [sflag:$0x2] =	stream.linear.gather [hbm4b:s15+s2], $0x80, $0x38;
	[tilespmem:$0x5180] =	vst v63  }
0x2a8: {  	_ = 	snop  }
0x2a9: {  	[spmem:s1] =	stream.indirect.scatter.add.f32 [tilespmem:s5], [sflag:$0x3], $0x80, s2, s9, $0xb8;
	[tilespmem:$0x5180] =	vst v63  }
0x2aa: {  	_ =	swait.ge [sflag:s4], $0x4000  }
0x2ab: {  	[sflag:s4] =	ssyncset.done $0x0  }
0x2ac: {  	[sflag:s4] =	ssyncadd.s32 $0xFFFFC000  }
0x2ad: {  	_ =	swait.ge [sflag:s11], $0x80  }
0x2ae: {  	[sflag:s11] =	ssyncset.done $0x0  }
0x2af: {  	[sflag:s11] =	ssyncadd.s32 $0xFFFFFF80  }
0x2b0: {  	[tilespmem:s2], [sflag:$0x1] =	stream.linear.gather [hbm4b:s14+s2], $0x80, $0x38;
	[tilespmem:$0x5180] =	vst v63  }
0x2b1: {  	_ = 	snop  }
0x2b2: {  	[spmem:s1] =	stream.indirect.scatter.add.f32 [tilespmem:s5], [sflag:$0x3], $0x80, s9, s9, $0xb8;
	[tilespmem:$0x5180] =	vst v63  }
0x2b3: {  	_ =	swait.ge [sflag:s4], $0x4000  }
0x2b4: {  	[sflag:s4] =	ssyncset.done $0x0  }
0x2b5: {  	[sflag:s4] =	ssyncadd.s32 $0xFFFFC000  }
0x2b6: {  	_ =	swait.ge [sflag:s6], $0x80  }
0x2b7: {  	[sflag:s6] =	ssyncset.done $0x0  }
0x2b8: {  	[sflag:s6] =	ssyncadd.s32 $0xFFFFFF80  }
0x2b9: {  	[tilespmem:s9], [sflag:$0x2] =	stream.linear.gather [hbm4b:s13+s2], $0x80, $0x38;
	[tilespmem:$0x5180] =	vst v63  }
0x2ba: {  	_ = 	snop  }
0x2bb: {  	[spmem:s1] =	stream.indirect.scatter.add.f32 [tilespmem:s5], [sflag:$0x3], $0x80, s2, s9, $0xb8;
	[tilespmem:$0x5180] =	vst v63  }
0x2bc: {  	_ =	swait.ge [sflag:s4], $0x4000  }
0x2bd: {  	[sflag:s4] =	ssyncset.done $0x0  }
0x2be: {  	[sflag:s4] =	ssyncadd.s32 $0xFFFFC000  }
0x2bf: {  	_ =	swait.ge [sflag:s11], $0x80  }
0x2c0: {  	[sflag:s11] =	ssyncset.done $0x0  }
0x2c1: {  	[sflag:s11] =	ssyncadd.s32 $0xFFFFFF80  }
0x2c2: {  	[tilespmem:s2], [sflag:$0x1] =	stream.linear.gather [hbm4b:s12+s2], $0x80, $0x38;
	[tilespmem:$0x5180] =	vst v63  }
0x2c3: {  	_ = 	snop  }
0x2c4: {  	[spmem:s1] =	stream.indirect.scatter.add.f32 [tilespmem:s5], [sflag:$0x3], $0x80, s9, s9, $0xb8;
	[tilespmem:$0x5180] =	vst v63  }
0x2c5: {  	_ =	swait.ge [sflag:s4], $0x4000  }
0x2c6: {  	[sflag:s4] =	ssyncset.done $0x0  }
0x2c7: {  	[sflag:s4] =	ssyncadd.s32 $0xFFFFC000  }
0x2c8: {  	_ =	swait.ge [sflag:s6], $0x80  }
0x2c9: {  	[sflag:s6] =	ssyncset.done $0x0  }
0x2ca: {  	[sflag:s6] =	ssyncadd.s32 $0xFFFFFF80  }
0x2cb: {  	[tilespmem:s9], [sflag:$0x2] =	stream.linear.gather [hbm4b:s10+s2], $0x80, $0x38;
	[tilespmem:$0x5180] =	vst v63  }
0x2cc: {  	_ = 	snop  }
0x2cd: {  	[spmem:s1] =	stream.indirect.scatter.add.f32 [tilespmem:s5], [sflag:$0x3], $0x80, s2, s9, $0xb8;
	[tilespmem:$0x5180] =	vst v63  }
0x2ce: {  	_ =	swait.ge [sflag:s4], $0x4000  }
0x2cf: {  	[sflag:s4] =	ssyncset.done $0x0  }
0x2d0: {  	[sflag:s4] =	ssyncadd.s32 $0xFFFFC000  }
0x2d1: {  	_ =	swait.ge [sflag:s11], $0x80  }
0x2d2: {  	[sflag:s11] =	ssyncset.done $0x0  }
0x2d3: {  	[sflag:s11] =	ssyncadd.s32 $0xFFFFFF80  }
0x2d4: {  	[tilespmem:s2], [sflag:$0x1] =	stream.linear.gather [hbm4b:s7+s2], $0x80, $0x38;
	[tilespmem:$0x5180] =	vst v63  }
0x2d5: {  	_ = 	snop  }
0x2d6: {  	[spmem:s1] =	stream.indirect.scatter.add.f32 [tilespmem:s5], [sflag:$0x3], $0x80, s9, s9, $0xb8;
	[tilespmem:$0x5180] =	vst v63  }
0x2d7: {  	_ =	swait.ge [sflag:s4], $0x4000  }
0x2d8: {  	[sflag:s4] =	ssyncset.done $0x0  }
0x2d9: {  	[sflag:s4] =	ssyncadd.s32 $0xFFFFC000  }
0x2da: {  	_ =	swait.ge [sflag:s6], $0x80  }
0x2db: {  	[sflag:s6] =	ssyncset.done $0x0  }
0x2dc: {  	[sflag:s6] =	ssyncadd.s32 $0xFFFFFF80  }
0x2dd: {  	[spmem:s1] =	stream.indirect.scatter.add.f32 [tilespmem:s5], [sflag:$0x3], $0x80, s2, s9, $0xb8;
	[tilespmem:$0x5180] =	vst v63  }
0x2de: {  	_ =	swait.ge [sflag:s4], $0x4000  }
0x2df: {  	[sflag:s4] =	ssyncset.done $0x0  }
0x2e0: {  	[sflag:s4] =	ssyncadd.s32 $0xFFFFC000  }
0x2e1: {  	[bflag:$0x0] =	sbarrier.arrive $0xFFFF  }
0x2e2: {  	[hbm:s3], [sflag:s30] =	dma.local @!p0 [spmem:s8], $0x2100  }
0x2e3: {  	_ =	swait.ge @!p0 [sflag:s29], $0x2100  }
0x2e4: {  	[sflag:s29] =	ssyncset.done @!p0 $0x0  }
0x2e5: {  	[sflag:s29] =	ssyncadd.s32 @!p0 $0xFFFFDF00  }
0x2e6: {  	_ =	sfence.sel $0x180000  }
0x2e7: {  	[bflag:$0x0] =	sbarrier.arrive $0xFFFF  }
0x2e8: {  	_ =	strace $0x90000047  }
0x2e9: {  	[bflag:$0x2] =	sbarrier.arrive $0xFFFF  }
0x2ea: {  	s0 =	rddreg [dreg:$0x3]  }
0x2eb: {  	s0 =	sadd.s32 @!p0 $0x100000, s0  }
0x2ec: {  	[sflag:s0] =	ssyncadd.tile.s32 @!p0 $0x1;
	_ =	shalt  }
.LBB2_1:
.Ltmp3:
0x2ed: {  	(pc) =	sbr.rel .LBB2_4-.Ltmp3, $2  }
0x2ee: {  	_ =	sdelay $0x2  }
0x2ef: {  	_ = 	snop  }
.Lfunc_end2:
_tile_overlayer_lowered:
.L_overlay_start_2:
0x2f0: {  	(tag) =	ssettag $0x2  }
0x2f1: {  	s0 =	rddreg [dreg:$0x0];
	s2 =	stileid.u32  }
0x2f2: {  	s1 =	rddreg [dreg:$0x1];
	p0 =	sne.s32 s2, $0x0  }
0x2f3: {  	s3 =	rddreg [dreg:$0x2];
	[bflag:$0x3] =	sbarrier.arrive $0xFFFF;
	s2 =	simm.s32 @!p0 $0x1C03  }
0x2f4: {  	[timem:s3], [sflag:s2] =	dma.local @!p0 [hbm:s0], s1  }
0x2f5: {  	s0 =	simm.s32 @!p0 $0x3  }
0x2f6: {  	_ =	swait.ge @!p0 [sflag:s0], s1  }
0x2f7: {  	s1 =	ssub.s32 @!p0 $0x0, s1;
	[sflag:s0] =	ssyncset.done @!p0 $0x0  }
0x2f8: {  	[sflag:s0] =	ssyncadd.s32 @!p0 s1  }
0x2f9: {  	[bflag:$0x3] =	sbarrier.arrive $0xFFFF  }
0x2fa: {  	_ =	shalt  }

</sc_bundles>
